<compile_context>
chip_gen: v7x
topology: tpu7x:2x2x1
jax: 0.10.2.dev20260603
libtpu: 0.0.44.dev20260713+nightly
codegen_flags: <defaults>
</compile_context>

<pallas_src>
import functools

import jax
import jax.numpy as jnp
from jax import lax
from jax.experimental import pallas as pl
from jax.experimental.pallas import tpu as pltpu
from jax.experimental.pallas import tpu_sc as plsc

B = 16384
NUM_USERS = 1000000
K = 16
SEM_CODEBOOK = 256
SEM_LEVELS = 4
FIELDS = 1 + SEM_LEVELS
INP = FIELDS * K
B4 = B * SEM_LEVELS

NC = 2
NS = 16
NW = NC * NS
U_PER_W = B // NW
S_PER_W = B4 // NW

_sc_mesh = plsc.VectorSubcoreMesh(core_axis_name="c", subcore_axis_name="s")


@functools.partial(
    pl.kernel,
    out_type=jax.ShapeDtypeStruct((B, K), jnp.float32),
    mesh=_sc_mesh,
    scratch_types=[
        pltpu.VMEM((U_PER_W,), jnp.int32),
        pltpu.VMEM((U_PER_W, K), jnp.float32),
        pltpu.SemaphoreType.DMA,
    ],
    compiler_params=pltpu.CompilerParams(use_tc_tiling_on_sc=False),
)
def _sc_gather_user(uidx_hbm, utab_hbm, uvec_out, uidx_v, urows_v, sem):
    wid = lax.axis_index("s") * NC + lax.axis_index("c")
    ub = wid * U_PER_W
    pltpu.sync_copy(uidx_hbm.at[pl.ds(ub, U_PER_W)], uidx_v)
    pltpu.async_copy(utab_hbm.at[uidx_v], urows_v, sem).wait()
    pltpu.sync_copy(urows_v, uvec_out.at[pl.ds(ub, U_PER_W)])


@functools.partial(
    pl.kernel,
    out_type=(
        jax.ShapeDtypeStruct((B, K), jnp.float32),
        jax.ShapeDtypeStruct((B4, K), jnp.float32),
        jax.ShapeDtypeStruct((B4, K), jnp.float32),
    ),
    mesh=_sc_mesh,
    scratch_types=[
        pltpu.VMEM((U_PER_W,), jnp.int32),
        pltpu.VMEM((S_PER_W,), jnp.int32),
        pltpu.VMEM((S_PER_W,), jnp.int32),
        pltpu.VMEM((U_PER_W, K), jnp.float32),
        pltpu.VMEM((S_PER_W, K), jnp.float32),
        pltpu.VMEM((S_PER_W, K), jnp.float32),
        pltpu.SemaphoreType.DMA,
    ],
    compiler_params=pltpu.CompilerParams(use_tc_tiling_on_sc=False),
)
def _sc_gather_small(ubidx_hbm, sidx_hbm, sbidx_hbm,
                     ubias_hbm, stab_hbm, sbias_hbm,
                     ubr_out, svec_out, sbr_out,
                     ubidx_v, sidx_v, sbidx_v,
                     ubrows_v, srows_v, sbrows_v, sem):
    wid = lax.axis_index("s") * NC + lax.axis_index("c")
    ub = wid * U_PER_W
    sb = wid * S_PER_W
    pltpu.sync_copy(ubidx_hbm.at[pl.ds(ub, U_PER_W)], ubidx_v)
    pltpu.sync_copy(sidx_hbm.at[pl.ds(sb, S_PER_W)], sidx_v)
    pltpu.sync_copy(sbidx_hbm.at[pl.ds(sb, S_PER_W)], sbidx_v)
    copies = [
        pltpu.async_copy(ubias_hbm.at[ubidx_v], ubrows_v, sem),
        pltpu.async_copy(stab_hbm.at[sidx_v], srows_v, sem),
        pltpu.async_copy(sbias_hbm.at[sbidx_v], sbrows_v, sem),
    ]
    for c in copies:
        c.wait()
    pltpu.sync_copy(ubrows_v, ubr_out.at[pl.ds(ub, U_PER_W)])
    pltpu.sync_copy(srows_v, svec_out.at[pl.ds(sb, S_PER_W)])
    pltpu.sync_copy(sbrows_v, sbr_out.at[pl.ds(sb, S_PER_W)])


R = 4096


def _dense_body(uvec, ubr, ulane, svec, sbr, slane, W1, b1, W2, b2, W3, b3, out):
    u = uvec[...]
    s = svec[...]
    x = jnp.concatenate([u, s], axis=1)
    sum_vec = u + s[:, 0:16] + s[:, 16:32] + s[:, 32:48] + s[:, 48:64]
    sum_sq = jnp.sum(sum_vec * sum_vec, axis=1, keepdims=True)
    sq_sum = jnp.sum(x * x, axis=1, keepdims=True)
    fm2 = 0.5 * (sum_sq - sq_sum)

    iota16 = lax.broadcasted_iota(jnp.int32, (R, K), 1)
    first = jnp.sum(jnp.where(iota16 == ulane[...], ubr[...], 0.0),
                    axis=1, keepdims=True)
    sl = slane[...]
    sbv = sbr[...]
    for l in range(SEM_LEVELS):
        first = first + jnp.sum(
            jnp.where(iota16 == sl[:, l:l + 1], sbv[:, l * K:(l + 1) * K], 0.0),
            axis=1, keepdims=True)

    h = jnp.dot(x, W1[...], preferred_element_type=jnp.float32) + b1[...][None, :]
    h = jnp.maximum(h, 0.0)
    h = jnp.dot(h, W2[...], preferred_element_type=jnp.float32) + b2[...][None, :]
    h = jnp.maximum(h, 0.0)
    deep = jnp.dot(h, W3[...], preferred_element_type=jnp.float32) + b3[...][None, :]
    logits = first + fm2 + deep
    out[...] = (1.0 / (1.0 + jnp.exp(-logits)))[:, 0]


_dense = pl.pallas_call(
    _dense_body,
    grid=(B // R,),
    in_specs=[
        pl.BlockSpec((R, K), lambda i: (i, 0)),
        pl.BlockSpec((R, K), lambda i: (i, 0)),
        pl.BlockSpec((R, 1), lambda i: (i, 0)),
        pl.BlockSpec((R, SEM_LEVELS * K), lambda i: (i, 0)),
        pl.BlockSpec((R, SEM_LEVELS * K), lambda i: (i, 0)),
        pl.BlockSpec((R, SEM_LEVELS), lambda i: (i, 0)),
        pl.BlockSpec((INP, 128), lambda i: (0, 0)),
        pl.BlockSpec((128,), lambda i: (0,)),
        pl.BlockSpec((128, 64), lambda i: (0, 0)),
        pl.BlockSpec((64,), lambda i: (0,)),
        pl.BlockSpec((64, 1), lambda i: (0, 0)),
        pl.BlockSpec((1,), lambda i: (0,)),
    ],
    out_specs=pl.BlockSpec((R,), lambda i: (i,)),
    out_shape=jax.ShapeDtypeStruct((B,), jnp.float32),
)


def kernel(user, sem_codes, user_table, user_bias, sem_tables, sem_biases,
           W1, b1, W2, b2, W3, b3):
    ui = user.astype(jnp.int32)
    uidx = ui
    ubidx = ui >> 4
    ulane = (ui & 15).reshape(B, 1)
    codes = jnp.clip(sem_codes, 0, SEM_CODEBOOK - 1).astype(jnp.int32)
    sflat = (codes + (jnp.arange(SEM_LEVELS, dtype=jnp.int32) * SEM_CODEBOOK)[None, :]).reshape(-1)
    sidx = sflat
    sbidx = sflat >> 4
    slane = (codes & 15)
    stab = sem_tables.reshape(SEM_LEVELS * SEM_CODEBOOK, K)
    ubias16 = user_bias.reshape(NUM_USERS // K, K)
    sbias16 = sem_biases.reshape(SEM_LEVELS * SEM_CODEBOOK // K, K)

    ubr, svec, sbr = _sc_gather_small(ubidx, sidx, sbidx, ubias16, stab, sbias16)
    uvec = _sc_gather_user(uidx, user_table)
    return _dense(
        uvec,
        ubr,
        ulane,
        svec.reshape(B, SEM_LEVELS * K),
        sbr.reshape(B, SEM_LEVELS * K),
        slane,
        W1, b1, W2, b2, W3, b3,
    )

# --- scband reference (transcript-rebuilt; emitter-appended) ---
"""Pipeline reference for scband-deep-fm-66331474919973 (READ-ONLY COPY).

The authoritative reference and input builder live on the scoring server;
editing this copy changes nothing except your own understanding.
"""

import jax, jax.numpy as jnp
import numpy as np

B = 16384
NUM_USERS = 1000000
K = 16
SEM_CODEBOOK = 256
SEM_LEVELS = 4
FIELDS = 1 + SEM_LEVELS


def setup_inputs(seed: int = 0) -> dict:
    key = jax.random.key(seed)
    ks = jax.random.split(key, 12)
    user = jax.random.randint(ks[0], (B,), 0, NUM_USERS)
    sem_codes = jax.random.randint(ks[1], (B, SEM_LEVELS), 0, SEM_CODEBOOK)
    user_table = jax.random.normal(ks[2], (NUM_USERS, K), dtype=jnp.float32) * 0.01
    user_bias = jax.random.normal(ks[3], (NUM_USERS, 1), dtype=jnp.float32) * 0.01
    sem_tables = jax.random.normal(ks[4], (SEM_LEVELS, SEM_CODEBOOK, K), dtype=jnp.float32) * 0.01
    sem_biases = jax.random.normal(ks[5], (SEM_LEVELS, SEM_CODEBOOK, 1), dtype=jnp.float32) * 0.01
    inp = FIELDS * K
    W1 = jax.random.normal(ks[6], (inp, 128), dtype=jnp.float32) * (1.0 / np.sqrt(inp))
    b1 = jnp.zeros((128,), dtype=jnp.float32)
    W2 = jax.random.normal(ks[7], (128, 64), dtype=jnp.float32) * (1.0 / np.sqrt(128))
    b2 = jnp.zeros((64,), dtype=jnp.float32)
    W3 = jax.random.normal(ks[8], (64, 1), dtype=jnp.float32) * (1.0 / np.sqrt(64))
    b3 = jnp.zeros((1,), dtype=jnp.float32)
    return {"user": user, "sem_codes": sem_codes, "user_table": user_table,
            "user_bias": user_bias, "sem_tables": sem_tables, "sem_biases": sem_biases,
            "W1": W1, "b1": b1, "W2": W2, "b2": b2, "W3": W3, "b3": b3}


def reference(user, sem_codes, user_table, user_bias, sem_tables, sem_biases, W1, b1, W2, b2, W3, b3):
    v = [jnp.take(user_table, user, axis=0)]
    first = jnp.take(user_bias, user, axis=0)
    for l in range(SEM_LEVELS):
        idx = jnp.clip(sem_codes[:, l], 0, SEM_CODEBOOK - 1)
        v.append(jnp.take(sem_tables[l], idx, axis=0))
        first = first + jnp.take(sem_biases[l], idx, axis=0)
    deep_x = jnp.concatenate(v, axis=1)
    stack = jnp.stack(v, axis=1)
    sum_vec = stack.sum(axis=1)
    sum_sq = (sum_vec * sum_vec).sum(axis=1, keepdims=True)
    sq_sum = sum((t * t).sum(axis=1, keepdims=True) for t in v)
    fm2 = 0.5 * (sum_sq - sq_sum)
    h = jax.nn.relu(deep_x @ W1 + b1)
    h = jax.nn.relu(h @ W2 + b2)
    deep = h @ W3 + b3
    logits = first + fm2 + deep
    return jax.nn.sigmoid(logits).reshape(-1)

if __name__ == "__main__":
    import jax
    _d = setup_inputs()
    print(jax.jit(kernel)(*tuple(_d.values())))

</pallas_src>

<mosaic_0001>
#map = affine_map<(d0, d1) -> (0)>
#map1 = affine_map<(d0, d1) -> (0, 0)>
module attributes {stable_mosaic.version = 14 : i64} {
  func.func @_sc_gather_user(%arg0: i32, %arg1: i32, %arg2: memref<16384xi32, #tpu.memory_space<hbm>>, %arg3: memref<1000000x16xf32, #tpu.memory_space<hbm>>, %arg4: memref<16384x16xf32, #tpu.memory_space<hbm>>, %arg5: memref<512xi32, #tpu.memory_space<vmem>>, %arg6: memref<512x16xf32, #tpu.memory_space<vmem>>, %arg7: memref<!tpu.dma_semaphore, #tpu.memory_space<semaphore_mem>>) attributes {dimension_semantics = [#tpu.dimension_semantics<core_parallel>, #tpu.dimension_semantics<subcore_parallel>], iteration_bounds = array<i64: 2, 16>, scalar_prefetch = 0 : i64, scratch_operands = 3 : i64, tpu.core_type = #tpu.core_type<sc_vector_subcore>, window_params = [{transform_indices = #map}, {transform_indices = #map1}, {transform_indices = #map1}]} {
    %mul3A = arith.constant 2 : i32
    %mul3A_0 = arith.muli %arg1, %mul3A : i32
    %add3A = arith.addi %mul3A_0, %arg0 : i32
    %mul3A_1 = arith.constant 512 : i32
    %mul3A_2 = arith.muli %add3A, %mul3A_1 : i32
    "tpu.region"() ({
      %run_scoped3A = tpu.sem_alloc : memref<!tpu.dma_semaphore, #tpu.memory_space<semaphore_mem>>
      %dma_start3A_7 = tpu.memref_slice %arg2[%mul3A_2] : memref<16384xi32, #tpu.memory_space<hbm>> -> memref<512xi32, #tpu.memory_space<hbm>>
      %dma_start3A_8 = tpu.memref_slice %arg2[%mul3A_2] : memref<16384xi32, #tpu.memory_space<hbm>> -> memref<512xi32, #tpu.memory_space<hbm>>
      tpu.enqueue_dma source(%dma_start3A_8 : memref<512xi32, #tpu.memory_space<hbm>>) target(%arg5 : memref<512xi32, #tpu.memory_space<vmem>>) target_semaphore(%run_scoped3A : memref<!tpu.dma_semaphore, #tpu.memory_space<semaphore_mem>>)
      %dma_wait3A_9 = tpu.memref_slice %arg2[%mul3A_2] : memref<16384xi32, #tpu.memory_space<hbm>> -> memref<512xi32, #tpu.memory_space<hbm>>
      %dma_wait3A_10 = tpu.memref_slice %arg2[%mul3A_2] : memref<16384xi32, #tpu.memory_space<hbm>> -> memref<512xi32, #tpu.memory_space<hbm>>
      tpu.wait_dma2 semaphore(%run_scoped3A : memref<!tpu.dma_semaphore, #tpu.memory_space<semaphore_mem>>) src(%dma_wait3A_10 : memref<512xi32, #tpu.memory_space<hbm>>) dst(%arg5 : memref<512xi32, #tpu.memory_space<vmem>>)
      tpu.yield
    }) : () -> ()
    %dma_start3A = arith.constant 0 : i32
    %dma_start3A_3 = arith.constant 0 : i32
    %dma_start3A_4 = tpu.memref_slice %arg3[%dma_start3A, %dma_start3A_3] : memref<1000000x16xf32, #tpu.memory_space<hbm>> -> memref<1000000x16xf32, #tpu.memory_space<hbm>>
    tpu.enqueue_indirect_dma source(%dma_start3A_4 : memref<1000000x16xf32, #tpu.memory_space<hbm>>) target(%arg6 : memref<512x16xf32, #tpu.memory_space<vmem>>) offsets(%arg5 : memref<512xi32, #tpu.memory_space<vmem>>) semaphore(%arg7 : memref<!tpu.dma_semaphore, #tpu.memory_space<semaphore_mem>>)
    %dma_wait3A = arith.constant 0 : i32
    %dma_wait3A_5 = arith.constant 0 : i32
    %dma_wait3A_6 = tpu.memref_slice %arg3[%dma_wait3A, %dma_wait3A_5] : memref<1000000x16xf32, #tpu.memory_space<hbm>> -> memref<1000000x16xf32, #tpu.memory_space<hbm>>
    tpu.wait_indirect_dma semaphore(%arg7 : memref<!tpu.dma_semaphore, #tpu.memory_space<semaphore_mem>>) src(%dma_wait3A_6 : memref<1000000x16xf32, #tpu.memory_space<hbm>>) dst(%arg6 : memref<512x16xf32, #tpu.memory_space<vmem>>)
    "tpu.region"() ({
      %run_scoped3A = tpu.sem_alloc : memref<!tpu.dma_semaphore, #tpu.memory_space<semaphore_mem>>
      %dma_start3A_7 = arith.constant 0 : i32
      %dma_start3A_8 = tpu.memref_slice %arg4[%mul3A_2, %dma_start3A_7] : memref<16384x16xf32, #tpu.memory_space<hbm>> -> memref<512x16xf32, #tpu.memory_space<hbm>>
      %dma_start3A_9 = arith.constant 0 : i32
      %dma_start3A_10 = tpu.memref_slice %arg4[%mul3A_2, %dma_start3A_9] : memref<16384x16xf32, #tpu.memory_space<hbm>> -> memref<512x16xf32, #tpu.memory_space<hbm>>
      tpu.enqueue_dma source(%arg6 : memref<512x16xf32, #tpu.memory_space<vmem>>) target(%dma_start3A_10 : memref<512x16xf32, #tpu.memory_space<hbm>>) target_semaphore(%run_scoped3A : memref<!tpu.dma_semaphore, #tpu.memory_space<semaphore_mem>>)
      %dma_wait3A_11 = arith.constant 0 : i32
      %dma_wait3A_12 = tpu.memref_slice %arg4[%mul3A_2, %dma_wait3A_11] : memref<16384x16xf32, #tpu.memory_space<hbm>> -> memref<512x16xf32, #tpu.memory_space<hbm>>
      %dma_wait3A_13 = arith.constant 0 : i32
      %dma_wait3A_14 = tpu.memref_slice %arg4[%mul3A_2, %dma_wait3A_13] : memref<16384x16xf32, #tpu.memory_space<hbm>> -> memref<512x16xf32, #tpu.memory_space<hbm>>
      tpu.wait_dma2 semaphore(%run_scoped3A : memref<!tpu.dma_semaphore, #tpu.memory_space<semaphore_mem>>) src(%arg6 : memref<512x16xf32, #tpu.memory_space<vmem>>) dst(%dma_wait3A_14 : memref<512x16xf32, #tpu.memory_space<hbm>>)
      tpu.yield
    }) : () -> ()
    return
  }
}

#map = affine_map<(d0, d1) -> (0)>
#map1 = affine_map<(d0, d1) -> (0, 0)>
module attributes {stable_mosaic.version = 14 : i64} {
  func.func @_sc_gather_small(%arg0: i32, %arg1: i32, %arg2: memref<16384xi32, #tpu.memory_space<hbm>>, %arg3: memref<65536xi32, #tpu.memory_space<hbm>>, %arg4: memref<65536xi32, #tpu.memory_space<hbm>>, %arg5: memref<62500x16xf32, #tpu.memory_space<hbm>>, %arg6: memref<1024x16xf32, #tpu.memory_space<hbm>>, %arg7: memref<64x16xf32, #tpu.memory_space<hbm>>, %arg8: memref<16384x16xf32, #tpu.memory_space<hbm>>, %arg9: memref<65536x16xf32, #tpu.memory_space<hbm>>, %arg10: memref<65536x16xf32, #tpu.memory_space<hbm>>, %arg11: memref<512xi32, #tpu.memory_space<vmem>>, %arg12: memref<2048xi32, #tpu.memory_space<vmem>>, %arg13: memref<2048xi32, #tpu.memory_space<vmem>>, %arg14: memref<512x16xf32, #tpu.memory_space<vmem>>, %arg15: memref<2048x16xf32, #tpu.memory_space<vmem>>, %arg16: memref<2048x16xf32, #tpu.memory_space<vmem>>, %arg17: memref<!tpu.dma_semaphore, #tpu.memory_space<semaphore_mem>>) attributes {dimension_semantics = [#tpu.dimension_semantics<core_parallel>, #tpu.dimension_semantics<subcore_parallel>], iteration_bounds = array<i64: 2, 16>, scalar_prefetch = 0 : i64, scratch_operands = 7 : i64, tpu.core_type = #tpu.core_type<sc_vector_subcore>, window_params = [{transform_indices = #map}, {transform_indices = #map}, {transform_indices = #map}, {transform_indices = #map1}, {transform_indices = #map1}, {transform_indices = #map1}, {transform_indices = #map1}, {transform_indices = #map1}, {transform_indices = #map1}]} {
    %mul3A = arith.constant 2 : i32
    %mul3A_0 = arith.muli %arg1, %mul3A : i32
    %add3A = arith.addi %mul3A_0, %arg0 : i32
    %mul3A_1 = arith.constant 512 : i32
    %mul3A_2 = arith.muli %add3A, %mul3A_1 : i32
    %mul3A_3 = arith.constant 2048 : i32
    %mul3A_4 = arith.muli %add3A, %mul3A_3 : i32
    "tpu.region"() ({
      %run_scoped3A = tpu.sem_alloc : memref<!tpu.dma_semaphore, #tpu.memory_space<semaphore_mem>>
      %dma_start3A_21 = tpu.memref_slice %arg2[%mul3A_2] : memref<16384xi32, #tpu.memory_space<hbm>> -> memref<512xi32, #tpu.memory_space<hbm>>
      %dma_start3A_22 = tpu.memref_slice %arg2[%mul3A_2] : memref<16384xi32, #tpu.memory_space<hbm>> -> memref<512xi32, #tpu.memory_space<hbm>>
      tpu.enqueue_dma source(%dma_start3A_22 : memref<512xi32, #tpu.memory_space<hbm>>) target(%arg11 : memref<512xi32, #tpu.memory_space<vmem>>) target_semaphore(%run_scoped3A : memref<!tpu.dma_semaphore, #tpu.memory_space<semaphore_mem>>)
      %dma_wait3A_23 = tpu.memref_slice %arg2[%mul3A_2] : memref<16384xi32, #tpu.memory_space<hbm>> -> memref<512xi32, #tpu.memory_space<hbm>>
      %dma_wait3A_24 = tpu.memref_slice %arg2[%mul3A_2] : memref<16384xi32, #tpu.memory_space<hbm>> -> memref<512xi32, #tpu.memory_space<hbm>>
      tpu.wait_dma2 semaphore(%run_scoped3A : memref<!tpu.dma_semaphore, #tpu.memory_space<semaphore_mem>>) src(%dma_wait3A_24 : memref<512xi32, #tpu.memory_space<hbm>>) dst(%arg11 : memref<512xi32, #tpu.memory_space<vmem>>)
      tpu.yield
    }) : () -> ()
    "tpu.region"() ({
      %run_scoped3A = tpu.sem_alloc : memref<!tpu.dma_semaphore, #tpu.memory_space<semaphore_mem>>
      %dma_start3A_21 = tpu.memref_slice %arg3[%mul3A_4] : memref<65536xi32, #tpu.memory_space<hbm>> -> memref<2048xi32, #tpu.memory_space<hbm>>
      %dma_start3A_22 = tpu.memref_slice %arg3[%mul3A_4] : memref<65536xi32, #tpu.memory_space<hbm>> -> memref<2048xi32, #tpu.memory_space<hbm>>
      tpu.enqueue_dma source(%dma_start3A_22 : memref<2048xi32, #tpu.memory_space<hbm>>) target(%arg12 : memref<2048xi32, #tpu.memory_space<vmem>>) target_semaphore(%run_scoped3A : memref<!tpu.dma_semaphore, #tpu.memory_space<semaphore_mem>>)
      %dma_wait3A_23 = tpu.memref_slice %arg3[%mul3A_4] : memref<65536xi32, #tpu.memory_space<hbm>> -> memref<2048xi32, #tpu.memory_space<hbm>>
      %dma_wait3A_24 = tpu.memref_slice %arg3[%mul3A_4] : memref<65536xi32, #tpu.memory_space<hbm>> -> memref<2048xi32, #tpu.memory_space<hbm>>
      tpu.wait_dma2 semaphore(%run_scoped3A : memref<!tpu.dma_semaphore, #tpu.memory_space<semaphore_mem>>) src(%dma_wait3A_24 : memref<2048xi32, #tpu.memory_space<hbm>>) dst(%arg12 : memref<2048xi32, #tpu.memory_space<vmem>>)
      tpu.yield
    }) : () -> ()
    "tpu.region"() ({
      %run_scoped3A = tpu.sem_alloc : memref<!tpu.dma_semaphore, #tpu.memory_space<semaphore_mem>>
      %dma_start3A_21 = tpu.memref_slice %arg4[%mul3A_4] : memref<65536xi32, #tpu.memory_space<hbm>> -> memref<2048xi32, #tpu.memory_space<hbm>>
      %dma_start3A_22 = tpu.memref_slice %arg4[%mul3A_4] : memref<65536xi32, #tpu.memory_space<hbm>> -> memref<2048xi32, #tpu.memory_space<hbm>>
      tpu.enqueue_dma source(%dma_start3A_22 : memref<2048xi32, #tpu.memory_space<hbm>>) target(%arg13 : memref<2048xi32, #tpu.memory_space<vmem>>) target_semaphore(%run_scoped3A : memref<!tpu.dma_semaphore, #tpu.memory_space<semaphore_mem>>)
      %dma_wait3A_23 = tpu.memref_slice %arg4[%mul3A_4] : memref<65536xi32, #tpu.memory_space<hbm>> -> memref<2048xi32, #tpu.memory_space<hbm>>
      %dma_wait3A_24 = tpu.memref_slice %arg4[%mul3A_4] : memref<65536xi32, #tpu.memory_space<hbm>> -> memref<2048xi32, #tpu.memory_space<hbm>>
      tpu.wait_dma2 semaphore(%run_scoped3A : memref<!tpu.dma_semaphore, #tpu.memory_space<semaphore_mem>>) src(%dma_wait3A_24 : memref<2048xi32, #tpu.memory_space<hbm>>) dst(%arg13 : memref<2048xi32, #tpu.memory_space<vmem>>)
      tpu.yield
    }) : () -> ()
    %dma_start3A = arith.constant 0 : i32
    %dma_start3A_5 = arith.constant 0 : i32
    %dma_start3A_6 = tpu.memref_slice %arg5[%dma_start3A, %dma_start3A_5] : memref<62500x16xf32, #tpu.memory_space<hbm>> -> memref<62500x16xf32, #tpu.memory_space<hbm>>
    tpu.enqueue_indirect_dma source(%dma_start3A_6 : memref<62500x16xf32, #tpu.memory_space<hbm>>) target(%arg14 : memref<512x16xf32, #tpu.memory_space<vmem>>) offsets(%arg11 : memref<512xi32, #tpu.memory_space<vmem>>) semaphore(%arg17 : memref<!tpu.dma_semaphore, #tpu.memory_space<semaphore_mem>>)
    %dma_start3A_7 = arith.constant 0 : i32
    %dma_start3A_8 = arith.constant 0 : i32
    %dma_start3A_9 = tpu.memref_slice %arg6[%dma_start3A_7, %dma_start3A_8] : memref<1024x16xf32, #tpu.memory_space<hbm>> -> memref<1024x16xf32, #tpu.memory_space<hbm>>
    tpu.enqueue_indirect_dma source(%dma_start3A_9 : memref<1024x16xf32, #tpu.memory_space<hbm>>) target(%arg15 : memref<2048x16xf32, #tpu.memory_space<vmem>>) offsets(%arg12 : memref<2048xi32, #tpu.memory_space<vmem>>) semaphore(%arg17 : memref<!tpu.dma_semaphore, #tpu.memory_space<semaphore_mem>>)
    %dma_start3A_10 = arith.constant 0 : i32
    %dma_start3A_11 = arith.constant 0 : i32
    %dma_start3A_12 = tpu.memref_slice %arg7[%dma_start3A_10, %dma_start3A_11] : memref<64x16xf32, #tpu.memory_space<hbm>> -> memref<64x16xf32, #tpu.memory_space<hbm>>
    tpu.enqueue_indirect_dma source(%dma_start3A_12 : memref<64x16xf32, #tpu.memory_space<hbm>>) target(%arg16 : memref<2048x16xf32, #tpu.memory_space<vmem>>) offsets(%arg13 : memref<2048xi32, #tpu.memory_space<vmem>>) semaphore(%arg17 : memref<!tpu.dma_semaphore, #tpu.memory_space<semaphore_mem>>)
    %dma_wait3A = arith.constant 0 : i32
    %dma_wait3A_13 = arith.constant 0 : i32
    %dma_wait3A_14 = tpu.memref_slice %arg5[%dma_wait3A, %dma_wait3A_13] : memref<62500x16xf32, #tpu.memory_space<hbm>> -> memref<62500x16xf32, #tpu.memory_space<hbm>>
    tpu.wait_indirect_dma semaphore(%arg17 : memref<!tpu.dma_semaphore, #tpu.memory_space<semaphore_mem>>) src(%dma_wait3A_14 : memref<62500x16xf32, #tpu.memory_space<hbm>>) dst(%arg14 : memref<512x16xf32, #tpu.memory_space<vmem>>)
    %dma_wait3A_15 = arith.constant 0 : i32
    %dma_wait3A_16 = arith.constant 0 : i32
    %dma_wait3A_17 = tpu.memref_slice %arg6[%dma_wait3A_15, %dma_wait3A_16] : memref<1024x16xf32, #tpu.memory_space<hbm>> -> memref<1024x16xf32, #tpu.memory_space<hbm>>
    tpu.wait_indirect_dma semaphore(%arg17 : memref<!tpu.dma_semaphore, #tpu.memory_space<semaphore_mem>>) src(%dma_wait3A_17 : memref<1024x16xf32, #tpu.memory_space<hbm>>) dst(%arg15 : memref<2048x16xf32, #tpu.memory_space<vmem>>)
    %dma_wait3A_18 = arith.constant 0 : i32
    %dma_wait3A_19 = arith.constant 0 : i32
    %dma_wait3A_20 = tpu.memref_slice %arg7[%dma_wait3A_18, %dma_wait3A_19] : memref<64x16xf32, #tpu.memory_space<hbm>> -> memref<64x16xf32, #tpu.memory_space<hbm>>
    tpu.wait_indirect_dma semaphore(%arg17 : memref<!tpu.dma_semaphore, #tpu.memory_space<semaphore_mem>>) src(%dma_wait3A_20 : memref<64x16xf32, #tpu.memory_space<hbm>>) dst(%arg16 : memref<2048x16xf32, #tpu.memory_space<vmem>>)
    "tpu.region"() ({
      %run_scoped3A = tpu.sem_alloc : memref<!tpu.dma_semaphore, #tpu.memory_space<semaphore_mem>>
      %dma_start3A_21 = arith.constant 0 : i32
      %dma_start3A_22 = tpu.memref_slice %arg8[%mul3A_2, %dma_start3A_21] : memref<16384x16xf32, #tpu.memory_space<hbm>> -> memref<512x16xf32, #tpu.memory_space<hbm>>
      %dma_start3A_23 = arith.constant 0 : i32
      %dma_start3A_24 = tpu.memref_slice %arg8[%mul3A_2, %dma_start3A_23] : memref<16384x16xf32, #tpu.memory_space<hbm>> -> memref<512x16xf32, #tpu.memory_space<hbm>>
      tpu.enqueue_dma source(%arg14 : memref<512x16xf32, #tpu.memory_space<vmem>>) target(%dma_start3A_24 : memref<512x16xf32, #tpu.memory_space<hbm>>) target_semaphore(%run_scoped3A : memref<!tpu.dma_semaphore, #tpu.memory_space<semaphore_mem>>)
      %dma_wait3A_25 = arith.constant 0 : i32
      %dma_wait3A_26 = tpu.memref_slice %arg8[%mul3A_2, %dma_wait3A_25] : memref<16384x16xf32, #tpu.memory_space<hbm>> -> memref<512x16xf32, #tpu.memory_space<hbm>>
      %dma_wait3A_27 = arith.constant 0 : i32
      %dma_wait3A_28 = tpu.memref_slice %arg8[%mul3A_2, %dma_wait3A_27] : memref<16384x16xf32, #tpu.memory_space<hbm>> -> memref<512x16xf32, #tpu.memory_space<hbm>>
      tpu.wait_dma2 semaphore(%run_scoped3A : memref<!tpu.dma_semaphore, #tpu.memory_space<semaphore_mem>>) src(%arg14 : memref<512x16xf32, #tpu.memory_space<vmem>>) dst(%dma_wait3A_28 : memref<512x16xf32, #tpu.memory_space<hbm>>)
      tpu.yield
    }) : () -> ()
    "tpu.region"() ({
      %run_scoped3A = tpu.sem_alloc : memref<!tpu.dma_semaphore, #tpu.memory_space<semaphore_mem>>
      %dma_start3A_21 = arith.constant 0 : i32
      %dma_start3A_22 = tpu.memref_slice %arg9[%mul3A_4, %dma_start3A_21] : memref<65536x16xf32, #tpu.memory_space<hbm>> -> memref<2048x16xf32, #tpu.memory_space<hbm>>
      %dma_start3A_23 = arith.constant 0 : i32
      %dma_start3A_24 = tpu.memref_slice %arg9[%mul3A_4, %dma_start3A_23] : memref<65536x16xf32, #tpu.memory_space<hbm>> -> memref<2048x16xf32, #tpu.memory_space<hbm>>
      tpu.enqueue_dma source(%arg15 : memref<2048x16xf32, #tpu.memory_space<vmem>>) target(%dma_start3A_24 : memref<2048x16xf32, #tpu.memory_space<hbm>>) target_semaphore(%run_scoped3A : memref<!tpu.dma_semaphore, #tpu.memory_space<semaphore_mem>>)
      %dma_wait3A_25 = arith.constant 0 : i32
      %dma_wait3A_26 = tpu.memref_slice %arg9[%mul3A_4, %dma_wait3A_25] : memref<65536x16xf32, #tpu.memory_space<hbm>> -> memref<2048x16xf32, #tpu.memory_space<hbm>>
      %dma_wait3A_27 = arith.constant 0 : i32
      %dma_wait3A_28 = tpu.memref_slice %arg9[%mul3A_4, %dma_wait3A_27] : memref<65536x16xf32, #tpu.memory_space<hbm>> -> memref<2048x16xf32, #tpu.memory_space<hbm>>
      tpu.wait_dma2 semaphore(%run_scoped3A : memref<!tpu.dma_semaphore, #tpu.memory_space<semaphore_mem>>) src(%arg15 : memref<2048x16xf32, #tpu.memory_space<vmem>>) dst(%dma_wait3A_28 : memref<2048x16xf32, #tpu.memory_space<hbm>>)
      tpu.yield
    }) : () -> ()
    "tpu.region"() ({
      %run_scoped3A = tpu.sem_alloc : memref<!tpu.dma_semaphore, #tpu.memory_space<semaphore_mem>>
      %dma_start3A_21 = arith.constant 0 : i32
      %dma_start3A_22 = tpu.memref_slice %arg10[%mul3A_4, %dma_start3A_21] : memref<65536x16xf32, #tpu.memory_space<hbm>> -> memref<2048x16xf32, #tpu.memory_space<hbm>>
      %dma_start3A_23 = arith.constant 0 : i32
      %dma_start3A_24 = tpu.memref_slice %arg10[%mul3A_4, %dma_start3A_23] : memref<65536x16xf32, #tpu.memory_space<hbm>> -> memref<2048x16xf32, #tpu.memory_space<hbm>>
      tpu.enqueue_dma source(%arg16 : memref<2048x16xf32, #tpu.memory_space<vmem>>) target(%dma_start3A_24 : memref<2048x16xf32, #tpu.memory_space<hbm>>) target_semaphore(%run_scoped3A : memref<!tpu.dma_semaphore, #tpu.memory_space<semaphore_mem>>)
      %dma_wait3A_25 = arith.constant 0 : i32
      %dma_wait3A_26 = tpu.memref_slice %arg10[%mul3A_4, %dma_wait3A_25] : memref<65536x16xf32, #tpu.memory_space<hbm>> -> memref<2048x16xf32, #tpu.memory_space<hbm>>
      %dma_wait3A_27 = arith.constant 0 : i32
      %dma_wait3A_28 = tpu.memref_slice %arg10[%mul3A_4, %dma_wait3A_27] : memref<65536x16xf32, #tpu.memory_space<hbm>> -> memref<2048x16xf32, #tpu.memory_space<hbm>>
      tpu.wait_dma2 semaphore(%run_scoped3A : memref<!tpu.dma_semaphore, #tpu.memory_space<semaphore_mem>>) src(%arg16 : memref<2048x16xf32, #tpu.memory_space<vmem>>) dst(%dma_wait3A_28 : memref<2048x16xf32, #tpu.memory_space<hbm>>)
      tpu.yield
    }) : () -> ()
    return
  }
}

module attributes {stable_mosaic.version = 14 : i64} {
  func.func @_dense_body(%arg0: i32, %arg1: memref<4096x16xf32, #tpu.memory_space<vmem>>, %arg2: memref<4096x16xf32, #tpu.memory_space<vmem>>, %arg3: memref<4096x1xi32, #tpu.memory_space<vmem>>, %arg4: memref<4096x64xf32, #tpu.memory_space<vmem>>, %arg5: memref<4096x64xf32, #tpu.memory_space<vmem>>, %arg6: memref<4096x4xi32, #tpu.memory_space<vmem>>, %arg7: memref<80x128xf32, #tpu.memory_space<vmem>>, %arg8: memref<128xf32, #tpu.memory_space<vmem>>, %arg9: memref<128x64xf32, #tpu.memory_space<vmem>>, %arg10: memref<64xf32, #tpu.memory_space<vmem>>, %arg11: memref<64x1xf32, #tpu.memory_space<vmem>>, %arg12: memref<1xf32, #tpu.memory_space<vmem>>, %arg13: memref<4096xf32, #tpu.memory_space<vmem>>) attributes {dimension_semantics = [#tpu.dimension_semantics<arbitrary>], iteration_bounds = array<i64: 4>, scalar_prefetch = 0 : i64, scratch_operands = 0 : i64, tpu.core_type = #tpu.core_type<tc>, window_params = [{transform_indices = @transform_0, window_bounds = array<i64: 4096, 16>}, {transform_indices = @transform_1, window_bounds = array<i64: 4096, 16>}, {transform_indices = @transform_2, window_bounds = array<i64: 4096, 1>}, {transform_indices = @transform_3, window_bounds = array<i64: 4096, 64>}, {transform_indices = @transform_4, window_bounds = array<i64: 4096, 64>}, {transform_indices = @transform_5, window_bounds = array<i64: 4096, 4>}, {pipeline_mode = #tpu.pipeline_mode<synchronous>, transform_indices = @transform_6, window_bounds = array<i64: 80, 128>}, {pipeline_mode = #tpu.pipeline_mode<synchronous>, transform_indices = @transform_7, window_bounds = array<i64: 128>}, {pipeline_mode = #tpu.pipeline_mode<synchronous>, transform_indices = @transform_8, window_bounds = array<i64: 128, 64>}, {pipeline_mode = #tpu.pipeline_mode<synchronous>, transform_indices = @transform_9, window_bounds = array<i64: 64>}, {pipeline_mode = #tpu.pipeline_mode<synchronous>, transform_indices = @transform_10, window_bounds = array<i64: 64, 1>}, {pipeline_mode = #tpu.pipeline_mode<synchronous>, transform_indices = @transform_11, window_bounds = array<i64: 1>}, {transform_indices = @transform_12, window_bounds = array<i64: 4096>}]} {
    %get3A = arith.constant 0 : index
    %get3A_0 = arith.constant 0 : index
    %get3A_1 = vector.load %arg1[%get3A, %get3A_0] : memref<4096x16xf32, #tpu.memory_space<vmem>>, vector<4096x16xf32>
    %get3A_2 = arith.constant 0 : index
    %get3A_3 = arith.constant 0 : index
    %get3A_4 = vector.load %arg4[%get3A_2, %get3A_3] : memref<4096x64xf32, #tpu.memory_space<vmem>>, vector<4096x64xf32>
    %concatenate3A = tpu.concatenate %get3A_1, %get3A_4 in 1 : vector<4096x16xf32>, vector<4096x64xf32> -> vector<4096x80xf32>
    %slice3A = vector.extract_strided_slice %get3A_4 {offsets = [0, 0], sizes = [4096, 16], strides = [1, 1]} : vector<4096x64xf32> to vector<4096x16xf32>
    %add3A = arith.addf %get3A_1, %slice3A : vector<4096x16xf32>
    %slice3A_5 = vector.extract_strided_slice %get3A_4 {offsets = [0, 16], sizes = [4096, 16], strides = [1, 1]} : vector<4096x64xf32> to vector<4096x16xf32>
    %add3A_6 = arith.addf %add3A, %slice3A_5 : vector<4096x16xf32>
    %slice3A_7 = vector.extract_strided_slice %get3A_4 {offsets = [0, 32], sizes = [4096, 16], strides = [1, 1]} : vector<4096x64xf32> to vector<4096x16xf32>
    %add3A_8 = arith.addf %add3A_6, %slice3A_7 : vector<4096x16xf32>
    %slice3A_9 = vector.extract_strided_slice %get3A_4 {offsets = [0, 48], sizes = [4096, 16], strides = [1, 1]} : vector<4096x64xf32> to vector<4096x16xf32>
    %add3A_10 = arith.addf %add3A_8, %slice3A_9 : vector<4096x16xf32>
    %mul3A = arith.mulf %add3A_10, %add3A_10 : vector<4096x16xf32>
    %reduce_sum3A = arith.constant dense<0.000000e+00> : vector<4096xf32>
    %reduce_sum3A_11 = vector.multi_reduction <add>, %mul3A, %reduce_sum3A [1] : vector<4096x16xf32> to vector<4096xf32>
    %broadcast_in_dim3A = vector.shape_cast %reduce_sum3A_11 : vector<4096xf32> to vector<4096x1xf32>
    %mul3A_12 = arith.mulf %concatenate3A, %concatenate3A : vector<4096x80xf32>
    %reduce_sum3A_13 = arith.constant dense<0.000000e+00> : vector<4096xf32>
    %reduce_sum3A_14 = vector.multi_reduction <add>, %mul3A_12, %reduce_sum3A_13 [1] : vector<4096x80xf32> to vector<4096xf32>
    %broadcast_in_dim3A_15 = vector.shape_cast %reduce_sum3A_14 : vector<4096xf32> to vector<4096x1xf32>
    %sub3A = arith.subf %broadcast_in_dim3A, %broadcast_in_dim3A_15 : vector<4096x1xf32>
    %mul3A_16 = arith.constant 5.000000e-01 : f32
    %mul3A_17 = vector.broadcast %mul3A_16 : f32 to vector<4096x1xf32>
    %mul3A_18 = arith.mulf %mul3A_17, %sub3A : vector<4096x1xf32>
    %iota3A = tpu.iota {dimensions = array<i32: 1>} : vector<4096x16xi32>
    %get3A_19 = arith.constant 0 : index
    %get3A_20 = arith.constant 0 : index
    %get3A_21 = vector.load %arg3[%get3A_19, %get3A_20] : memref<4096x1xi32, #tpu.memory_space<vmem>>, vector<4096x1xi32>
    %eq3A = vector.broadcast %get3A_21 : vector<4096x1xi32> to vector<4096x16xi32>
    %eq3A_22 = arith.cmpi eq, %iota3A, %eq3A : vector<4096x16xi32>
    %get3A_23 = arith.constant 0 : index
    %get3A_24 = arith.constant 0 : index
    %get3A_25 = vector.load %arg2[%get3A_23, %get3A_24] : memref<4096x16xf32, #tpu.memory_space<vmem>>, vector<4096x16xf32>
    %jit3A = arith.constant 0.000000e+00 : f32
    %broadcast_in_dim3A_26 = vector.broadcast %jit3A : f32 to vector<4096x16xf32>
    %select_n3A = arith.select %eq3A_22, %get3A_25, %broadcast_in_dim3A_26 : vector<4096x16xi1>, vector<4096x16xf32>
    %reduce_sum3A_27 = arith.constant dense<0.000000e+00> : vector<4096xf32>
    %reduce_sum3A_28 = vector.multi_reduction <add>, %select_n3A, %reduce_sum3A_27 [1] : vector<4096x16xf32> to vector<4096xf32>
    %broadcast_in_dim3A_29 = vector.shape_cast %reduce_sum3A_28 : vector<4096xf32> to vector<4096x1xf32>
    %get3A_30 = arith.constant 0 : index
    %get3A_31 = arith.constant 0 : index
    %get3A_32 = vector.load %arg6[%get3A_30, %get3A_31] : memref<4096x4xi32, #tpu.memory_space<vmem>>, vector<4096x4xi32>
    %get3A_33 = arith.constant 0 : index
    %get3A_34 = arith.constant 0 : index
    %get3A_35 = vector.load %arg5[%get3A_33, %get3A_34] : memref<4096x64xf32, #tpu.memory_space<vmem>>, vector<4096x64xf32>
    %slice3A_36 = vector.extract_strided_slice %get3A_32 {offsets = [0, 0], sizes = [4096, 1], strides = [1, 1]} : vector<4096x4xi32> to vector<4096x1xi32>
    %eq3A_37 = vector.broadcast %slice3A_36 : vector<4096x1xi32> to vector<4096x16xi32>
    %eq3A_38 = arith.cmpi eq, %iota3A, %eq3A_37 : vector<4096x16xi32>
    %slice3A_39 = vector.extract_strided_slice %get3A_35 {offsets = [0, 0], sizes = [4096, 16], strides = [1, 1]} : vector<4096x64xf32> to vector<4096x16xf32>
    %jit3A_40 = arith.constant 0.000000e+00 : f32
    %broadcast_in_dim3A_41 = vector.broadcast %jit3A_40 : f32 to vector<4096x16xf32>
    %select_n3A_42 = arith.select %eq3A_38, %slice3A_39, %broadcast_in_dim3A_41 : vector<4096x16xi1>, vector<4096x16xf32>
    %reduce_sum3A_43 = arith.constant dense<0.000000e+00> : vector<4096xf32>
    %reduce_sum3A_44 = vector.multi_reduction <add>, %select_n3A_42, %reduce_sum3A_43 [1] : vector<4096x16xf32> to vector<4096xf32>
    %broadcast_in_dim3A_45 = vector.shape_cast %reduce_sum3A_44 : vector<4096xf32> to vector<4096x1xf32>
    %add3A_46 = arith.addf %broadcast_in_dim3A_29, %broadcast_in_dim3A_45 : vector<4096x1xf32>
    %slice3A_47 = vector.extract_strided_slice %get3A_32 {offsets = [0, 1], sizes = [4096, 1], strides = [1, 1]} : vector<4096x4xi32> to vector<4096x1xi32>
    %eq3A_48 = vector.broadcast %slice3A_47 : vector<4096x1xi32> to vector<4096x16xi32>
    %eq3A_49 = arith.cmpi eq, %iota3A, %eq3A_48 : vector<4096x16xi32>
    %slice3A_50 = vector.extract_strided_slice %get3A_35 {offsets = [0, 16], sizes = [4096, 16], strides = [1, 1]} : vector<4096x64xf32> to vector<4096x16xf32>
    %jit3A_51 = arith.constant 0.000000e+00 : f32
    %broadcast_in_dim3A_52 = vector.broadcast %jit3A_51 : f32 to vector<4096x16xf32>
    %select_n3A_53 = arith.select %eq3A_49, %slice3A_50, %broadcast_in_dim3A_52 : vector<4096x16xi1>, vector<4096x16xf32>
    %reduce_sum3A_54 = arith.constant dense<0.000000e+00> : vector<4096xf32>
    %reduce_sum3A_55 = vector.multi_reduction <add>, %select_n3A_53, %reduce_sum3A_54 [1] : vector<4096x16xf32> to vector<4096xf32>
    %broadcast_in_dim3A_56 = vector.shape_cast %reduce_sum3A_55 : vector<4096xf32> to vector<4096x1xf32>
    %add3A_57 = arith.addf %add3A_46, %broadcast_in_dim3A_56 : vector<4096x1xf32>
    %slice3A_58 = vector.extract_strided_slice %get3A_32 {offsets = [0, 2], sizes = [4096, 1], strides = [1, 1]} : vector<4096x4xi32> to vector<4096x1xi32>
    %eq3A_59 = vector.broadcast %slice3A_58 : vector<4096x1xi32> to vector<4096x16xi32>
    %eq3A_60 = arith.cmpi eq, %iota3A, %eq3A_59 : vector<4096x16xi32>
    %slice3A_61 = vector.extract_strided_slice %get3A_35 {offsets = [0, 32], sizes = [4096, 16], strides = [1, 1]} : vector<4096x64xf32> to vector<4096x16xf32>
    %jit3A_62 = arith.constant 0.000000e+00 : f32
    %broadcast_in_dim3A_63 = vector.broadcast %jit3A_62 : f32 to vector<4096x16xf32>
    %select_n3A_64 = arith.select %eq3A_60, %slice3A_61, %broadcast_in_dim3A_63 : vector<4096x16xi1>, vector<4096x16xf32>
    %reduce_sum3A_65 = arith.constant dense<0.000000e+00> : vector<4096xf32>
    %reduce_sum3A_66 = vector.multi_reduction <add>, %select_n3A_64, %reduce_sum3A_65 [1] : vector<4096x16xf32> to vector<4096xf32>
    %broadcast_in_dim3A_67 = vector.shape_cast %reduce_sum3A_66 : vector<4096xf32> to vector<4096x1xf32>
    %add3A_68 = arith.addf %add3A_57, %broadcast_in_dim3A_67 : vector<4096x1xf32>
    %slice3A_69 = vector.extract_strided_slice %get3A_32 {offsets = [0, 3], sizes = [4096, 1], strides = [1, 1]} : vector<4096x4xi32> to vector<4096x1xi32>
    %eq3A_70 = vector.broadcast %slice3A_69 : vector<4096x1xi32> to vector<4096x16xi32>
    %eq3A_71 = arith.cmpi eq, %iota3A, %eq3A_70 : vector<4096x16xi32>
    %slice3A_72 = vector.extract_strided_slice %get3A_35 {offsets = [0, 48], sizes = [4096, 16], strides = [1, 1]} : vector<4096x64xf32> to vector<4096x16xf32>
    %jit3A_73 = arith.constant 0.000000e+00 : f32
    %broadcast_in_dim3A_74 = vector.broadcast %jit3A_73 : f32 to vector<4096x16xf32>
    %select_n3A_75 = arith.select %eq3A_71, %slice3A_72, %broadcast_in_dim3A_74 : vector<4096x16xi1>, vector<4096x16xf32>
    %reduce_sum3A_76 = arith.constant dense<0.000000e+00> : vector<4096xf32>
    %reduce_sum3A_77 = vector.multi_reduction <add>, %select_n3A_75, %reduce_sum3A_76 [1] : vector<4096x16xf32> to vector<4096xf32>
    %broadcast_in_dim3A_78 = vector.shape_cast %reduce_sum3A_77 : vector<4096xf32> to vector<4096x1xf32>
    %add3A_79 = arith.addf %add3A_68, %broadcast_in_dim3A_78 : vector<4096x1xf32>
    %get3A_80 = arith.constant 0 : index
    %get3A_81 = arith.constant 0 : index
    %get3A_82 = vector.load %arg7[%get3A_80, %get3A_81] : memref<80x128xf32, #tpu.memory_space<vmem>>, vector<80x128xf32>
    %dot_general3A = arith.constant dense<0.000000e+00> : vector<4096x128xf32>
    %dot_general3A_83 = tpu.matmul %concatenate3A, %get3A_82, %dot_general3A {dimension_numbers = #tpu.dot_dimension_numbers<[1], [0], [0], [1], [0, 0, 1, 1], [], []>, transpose_lhs_hint = false} : vector<4096x80xf32>, vector<80x128xf32>, vector<4096x128xf32> -> vector<4096x128xf32>
    %get3A_84 = arith.constant 0 : index
    %get3A_85 = vector.load %arg8[%get3A_84] : memref<128xf32, #tpu.memory_space<vmem>>, vector<128xf32>
    %broadcast_in_dim3A_86 = vector.shape_cast %get3A_85 : vector<128xf32> to vector<1x128xf32>
    %add3A_87 = vector.broadcast %broadcast_in_dim3A_86 : vector<1x128xf32> to vector<4096x128xf32>
    %add3A_88 = arith.addf %dot_general3A_83, %add3A_87 : vector<4096x128xf32>
    %max3A = arith.constant 0.000000e+00 : f32
    %max3A_89 = vector.broadcast %max3A : f32 to vector<4096x128xf32>
    %max3A_90 = arith.maximumf %add3A_88, %max3A_89 : vector<4096x128xf32>
    %get3A_91 = arith.constant 0 : index
    %get3A_92 = arith.constant 0 : index
    %get3A_93 = vector.load %arg9[%get3A_91, %get3A_92] : memref<128x64xf32, #tpu.memory_space<vmem>>, vector<128x64xf32>
    %dot_general3A_94 = arith.constant dense<0.000000e+00> : vector<4096x64xf32>
    %dot_general3A_95 = tpu.matmul %max3A_90, %get3A_93, %dot_general3A_94 {dimension_numbers = #tpu.dot_dimension_numbers<[1], [0], [0], [1], [0, 0, 1, 1], [], []>, transpose_lhs_hint = false} : vector<4096x128xf32>, vector<128x64xf32>, vector<4096x64xf32> -> vector<4096x64xf32>
    %get3A_96 = arith.constant 0 : index
    %get3A_97 = vector.load %arg10[%get3A_96] : memref<64xf32, #tpu.memory_space<vmem>>, vector<64xf32>
    %broadcast_in_dim3A_98 = vector.shape_cast %get3A_97 : vector<64xf32> to vector<1x64xf32>
    %add3A_99 = vector.broadcast %broadcast_in_dim3A_98 : vector<1x64xf32> to vector<4096x64xf32>
    %add3A_100 = arith.addf %dot_general3A_95, %add3A_99 : vector<4096x64xf32>
    %max3A_101 = arith.constant 0.000000e+00 : f32
    %max3A_102 = vector.broadcast %max3A_101 : f32 to vector<4096x64xf32>
    %max3A_103 = arith.maximumf %add3A_100, %max3A_102 : vector<4096x64xf32>
    %get3A_104 = arith.constant 0 : index
    %get3A_105 = arith.constant 0 : index
    %get3A_106 = vector.load %arg11[%get3A_104, %get3A_105] : memref<64x1xf32, #tpu.memory_space<vmem>>, vector<64x1xf32>
    %dot_general3A_107 = arith.constant dense<0.000000e+00> : vector<4096x1xf32>
    %dot_general3A_108 = tpu.matmul %max3A_103, %get3A_106, %dot_general3A_107 {dimension_numbers = #tpu.dot_dimension_numbers<[1], [0], [0], [1], [0, 0, 1, 1], [], []>, transpose_lhs_hint = false} : vector<4096x64xf32>, vector<64x1xf32>, vector<4096x1xf32> -> vector<4096x1xf32>
    %get3A_109 = arith.constant 0 : index
    %get3A_110 = vector.load %arg12[%get3A_109] : memref<1xf32, #tpu.memory_space<vmem>>, vector<1xf32>
    %broadcast_in_dim3A_111 = vector.shape_cast %get3A_110 : vector<1xf32> to vector<1x1xf32>
    %add3A_112 = vector.broadcast %broadcast_in_dim3A_111 : vector<1x1xf32> to vector<4096x1xf32>
    %add3A_113 = arith.addf %dot_general3A_108, %add3A_112 : vector<4096x1xf32>
    %add3A_114 = arith.addf %add3A_79, %mul3A_18 : vector<4096x1xf32>
    %add3A_115 = arith.addf %add3A_114, %add3A_113 : vector<4096x1xf32>
    %neg3A = arith.constant 0.000000e+00 : f32
    %neg3A_116 = vector.broadcast %neg3A : f32 to vector<4096x1xf32>
    %neg3A_117 = arith.subf %neg3A_116, %add3A_115 : vector<4096x1xf32>
    %exp3A = math.exp %neg3A_117 : vector<4096x1xf32>
    %add3A_118 = arith.constant 1.000000e+00 : f32
    %add3A_119 = vector.broadcast %add3A_118 : f32 to vector<4096x1xf32>
    %add3A_120 = arith.addf %add3A_119, %exp3A : vector<4096x1xf32>
    %div3A = arith.constant 1.000000e+00 : f32
    %div3A_121 = vector.broadcast %div3A : f32 to vector<4096x1xf32>
    %div3A_122 = arith.divf %div3A_121, %add3A_120 : vector<4096x1xf32>
    %squeeze3A = vector.shape_cast %div3A_122 : vector<4096x1xf32> to vector<4096xf32>
    %swap3A = arith.constant 0 : index
    %swap3A_123 = vector.load %arg13[%swap3A] : memref<4096xf32, #tpu.memory_space<vmem>>, vector<4096xf32>
    tpu.vector_store %arg13[%swap3A], %squeeze3A {strides = array<i32>} : memref<4096xf32, #tpu.memory_space<vmem>>, vector<4096xf32>,
    return
  }
  func.func @transform_0(%arg0: i32) -> (i32, i32) {
    %c0_i32 = arith.constant 0 : i32
    %c0_i32_0 = arith.constant 0 : i32
    return %arg0, %c0_i32 : i32, i32
  }
  func.func @transform_1(%arg0: i32) -> (i32, i32) {
    %c0_i32 = arith.constant 0 : i32
    %c0_i32_0 = arith.constant 0 : i32
    return %arg0, %c0_i32 : i32, i32
  }
  func.func @transform_2(%arg0: i32) -> (i32, i32) {
    %c0_i32 = arith.constant 0 : i32
    %c0_i32_0 = arith.constant 0 : i32
    return %arg0, %c0_i32 : i32, i32
  }
  func.func @transform_3(%arg0: i32) -> (i32, i32) {
    %c0_i32 = arith.constant 0 : i32
    %c0_i32_0 = arith.constant 0 : i32
    return %arg0, %c0_i32 : i32, i32
  }
  func.func @transform_4(%arg0: i32) -> (i32, i32) {
    %c0_i32 = arith.constant 0 : i32
    %c0_i32_0 = arith.constant 0 : i32
    return %arg0, %c0_i32 : i32, i32
  }
  func.func @transform_5(%arg0: i32) -> (i32, i32) {
    %c0_i32 = arith.constant 0 : i32
    %c0_i32_0 = arith.constant 0 : i32
    return %arg0, %c0_i32 : i32, i32
  }
  func.func @transform_6(%arg0: i32) -> (i32, i32) {
    %c0_i32 = arith.constant 0 : i32
    %c0_i32_0 = arith.constant 0 : i32
    %c0_i32_1 = arith.constant 0 : i32
    return %c0_i32, %c0_i32_0 : i32, i32
  }
  func.func @transform_7(%arg0: i32) -> i32 {
    %c0_i32 = arith.constant 0 : i32
    %c0_i32_0 = arith.constant 0 : i32
    return %c0_i32 : i32
  }
  func.func @transform_8(%arg0: i32) -> (i32, i32) {
    %c0_i32 = arith.constant 0 : i32
    %c0_i32_0 = arith.constant 0 : i32
    %c0_i32_1 = arith.constant 0 : i32
    return %c0_i32, %c0_i32_0 : i32, i32
  }
  func.func @transform_9(%arg0: i32) -> i32 {
    %c0_i32 = arith.constant 0 : i32
    %c0_i32_0 = arith.constant 0 : i32
    return %c0_i32 : i32
  }
  func.func @transform_10(%arg0: i32) -> (i32, i32) {
    %c0_i32 = arith.constant 0 : i32
    %c0_i32_0 = arith.constant 0 : i32
    %c0_i32_1 = arith.constant 0 : i32
    return %c0_i32, %c0_i32_0 : i32, i32
  }
  func.func @transform_11(%arg0: i32) -> i32 {
    %c0_i32 = arith.constant 0 : i32
    %c0_i32_0 = arith.constant 0 : i32
    return %c0_i32 : i32
  }
  func.func @transform_12(%arg0: i32) -> i32 {
    %c0_i32 = arith.constant 0 : i32
    return %arg0 : i32
  }
}

</mosaic_0001>

<sc_bundles>
// kernel: kernel.5.cloned.1.call-start
scs
__scs_entry_jumppad:
0x0: {  	(pc) =	sbr.rel $0x88, $3  }
0x1: {  	(tag) =	ssettag $0x0;
	lr =	simm.s32 $0x1  }
0x2: {  	[smem:$0x3F95] =	sst lr;
	_ =	strace $0xD0000000  }
0x3: {  	_ = 	snop  }
0x4: {  	_ = 	snop  }
0x5: {  	_ = 	snop  }
0x6: {  	_ = 	snop  }
0x7: {  	_ = 	snop  }
__scs_overlays_trampoline_lowered:
0x8: {  	[smem:$0x3FA4] =	sst s0  }
0x9: {  	[smem:$0x3FA5] =	sst s1  }
0xa: {  	[smem:$0x3FA6] =	sst s2  }
0xb: {  	[smem:$0x3FA7] =	sst s3  }
0xc: {  	[smem:$0x3FA8] =	sst s4  }
0xd: {  	[smem:$0x3FA9] =	sst s5  }
0xe: {  	[smem:$0x3FAA] =	sst s6  }
0xf: {  	[smem:$0x3FAB] =	sst s7  }
0x10: {  	[smem:$0x3FAC] =	sst s8  }
0x11: {  	[smem:$0x3FAD] =	sst s9;
	s0 =	simm.s32 @!p0 $0x0  }
0x12: {  	s1 =	sld [smem:$0x3F93];
	s0 =	simm.s32 @p0 $0x1  }
0x13: {  	[smem:$0x3FAE] =	sst s0;
	s0 =	simm.s32 @!p1 $0x0  }
0x14: {  	s2 =	sld [smem:$0x3F92];
	s0 =	simm.s32 @p1 $0x1  }
0x15: {  	[smem:$0x3FAF] =	sst s0;
	s0 =	simm.s32 @!p2 $0x0  }
0x16: {  	s3 =	sld [smem:$0x3FDB];
	s0 =	simm.s32 @p2 $0x1  }
0x17: {  	s4 =	simm.s32 $0x1BF5;
	[smem:$0x3FB1] =	sst s0  }
0x18: {  	s0 =	sld [smem:$0x3F94];
	_ =	swait.ge [sflag:s4], $0x0  }
0x19: {  	s7 =	sld [smem:$0x3F95]  }
0x1a: {  	s8 =	sadd.s32 $0xFFFFE003, lr  }
0x1b: {  	s9 =	sadd.s32 $0xFFFFFEF7, lr;
	s5 =	simm.s32 $0xFFFFFFFF;
	p2 =	slt.u32 s8, $0xFFFFF086  }
0x1c: {  	p1 =	slt.u32 s9, $0xF7A;
	s5 =	simm.s32 @!p2 $0x0  }
0x1d: {  	s5 =	simm.s32 @p1 $0x1;
	p0 =	seq.s32 s7, s2  }
0x1e: {  	s7 =	smul.u32 @!p0 $0xF7A, s2;
	p2 =	seq.s32 @!p0 s5, $0x0  }
0x1f: {  	s9 =	smul.u32 $0xF7A, s1;
	s8 =	simm.s32 @!p0 $0x1BF5;
	p2 =	por !p2, p0  }
0x20: {  	[sflag:s8] =	ssyncset.s32 @!p0 $0xFFFFF086;
	s6 =	sadd.s32 @!p0 s3, s7;
	s7 =	simm.s32 @!p0 $0x108  }
0x21: {  	s3 =	sadd.s32 s3, s9;
	s6 =	sadd.s32 @!p0 $0x88, s6;
	s7 =	simm.s32 @p2 $0x1082  }
0x22: {  	[simem:s7], [sflag:s8] =	dma.local @!p0 [hbm:s6], $0xF7A  }
0x23: {  	s9 =	sor.u32 $0xD0000000, s2;
	s6 =	simm.s32 $0x108;
	_ =	swait.ge @!p0 [sflag:s8], $0x0  }
0x24: {  	s3 =	sadd.s32 $0x88, s3;
	s6 =	simm.s32 @!p1 $0x1082;
	[sflag:s4] =	ssyncset.s32 $0xFFFFF086  }
0x25: {  	[simem:s6], [sflag:s4] =	dma.local [hbm:s3], $0xF7A  }
0x26: {  	[smem:$0x3F95] =	sst s1;
	(tag) =	ssettag s2;
	_ =	strace s9  }
0x27: {  	s1 =	sld [smem:$0x3FA5]  }
0x28: {  	s2 =	sld [smem:$0x3FA6]  }
0x29: {  	s4 =	sld [smem:$0x3FA8]  }
0x2a: {  	p0 =	seq.s32 s5, $0x0;
	s5 =	sld [smem:$0x3FA9]  }
0x2b: {  	s6 =	sld [smem:$0x3FAA]  }
0x2c: {  	s7 =	sld [smem:$0x3FAB]  }
0x2d: {  	s3 =	simm.s32 $0x108;
	s8 =	sld [smem:$0x3FAC]  }
0x2e: {  	s3 =	simm.s32 @!p0 $0x1082;
	s9 =	sld [smem:$0x3FAD]  }
0x2f: {  	lr =	sadd.s32 s0, s3;
	s0 =	sld [smem:$0x3FA4]  }
0x30: {  	s3 =	sld [smem:$0x3FA7]  }
0x31: {  	[smem:$0x3FB0] =	sst s10  }
0x32: {  	s10 =	sld [smem:$0x3FAE];
	_ =	sdelay $0x3  }
0x33: {  	p0 =	seq.s32 s10, $0x1;
	s10 =	sld [smem:$0x3FB0];
	_ =	sdelay $0x3  }
0x34: {  	[smem:$0x3FB0] =	sst s10  }
0x35: {  	s10 =	sld [smem:$0x3FAF];
	_ =	sdelay $0x3  }
0x36: {  	p1 =	seq.s32 s10, $0x1;
	s10 =	sld [smem:$0x3FB0];
	_ =	sdelay $0x3  }
0x37: {  	[smem:$0x3FB0] =	sst s10  }
0x38: {  	s10 =	sld [smem:$0x3FB1]  }
0x39: {  	_ = 	snop;
	(pc) =	sbr.ind lr, $3  }
0x3a: {  	_ = 	snop  }
0x3b: {  	_ = 	snop  }
0x3c: {  	p2 =	seq.s32 s10, $0x1;
	s10 =	sld [smem:$0x3FB0]  }
0x3d: {  	_ =	shalt  }
0x3e: {  	_ =	shalt  }
0x3f: {  	_ =	shalt  }
0x40: {  	_ =	shalt  }
0x41: {  	_ =	shalt  }
0x42: {  	_ =	shalt  }
0x43: {  	_ =	shalt  }
0x44: {  	_ =	shalt  }
0x45: {  	_ =	shalt  }
0x46: {  	_ =	shalt  }
0x47: {  	_ =	shalt  }
0x48: {  	_ =	shalt  }
0x49: {  	_ =	shalt  }
0x4a: {  	_ =	shalt  }
0x4b: {  	_ =	shalt  }
0x4c: {  	_ =	shalt  }
0x4d: {  	_ =	shalt  }
0x4e: {  	_ =	shalt  }
0x4f: {  	_ =	shalt  }
0x50: {  	_ =	shalt  }
0x51: {  	_ =	shalt  }
0x52: {  	_ =	shalt  }
0x53: {  	_ =	shalt  }
0x54: {  	_ =	shalt  }
0x55: {  	_ =	shalt  }
0x56: {  	_ =	shalt  }
0x57: {  	_ =	shalt  }
0x58: {  	_ =	shalt  }
0x59: {  	_ =	shalt  }
0x5a: {  	_ =	shalt  }
0x5b: {  	_ =	shalt  }
0x5c: {  	_ =	shalt  }
0x5d: {  	_ =	shalt  }
0x5e: {  	_ =	shalt  }
0x5f: {  	_ =	shalt  }
0x60: {  	_ =	shalt  }
0x61: {  	_ =	shalt  }
0x62: {  	_ =	shalt  }
0x63: {  	_ =	shalt  }
0x64: {  	_ =	shalt  }
0x65: {  	_ =	shalt  }
0x66: {  	_ =	shalt  }
0x67: {  	_ =	shalt  }
0x68: {  	_ =	shalt  }
0x69: {  	_ =	shalt  }
0x6a: {  	_ =	shalt  }
0x6b: {  	_ =	shalt  }
0x6c: {  	_ =	shalt  }
0x6d: {  	_ =	shalt  }
0x6e: {  	_ =	shalt  }
0x6f: {  	_ =	shalt  }
0x70: {  	_ =	shalt  }
0x71: {  	_ =	shalt  }
0x72: {  	_ =	shalt  }
0x73: {  	_ =	shalt  }
0x74: {  	_ =	shalt  }
0x75: {  	_ =	shalt  }
0x76: {  	_ =	shalt  }
0x77: {  	_ =	shalt  }
0x78: {  	_ =	shalt  }
0x79: {  	_ =	shalt  }
0x7a: {  	_ =	shalt  }
0x7b: {  	_ =	shalt  }
0x7c: {  	_ =	shalt  }
0x7d: {  	_ =	shalt  }
0x7e: {  	_ =	shalt  }
0x7f: {  	_ =	shalt  }
0x80: {  	_ =	shalt  }
0x81: {  	_ =	shalt  }
0x82: {  	_ =	shalt  }
0x83: {  	_ =	shalt  }
0x84: {  	_ =	shalt  }
0x85: {  	_ =	shalt  }
0x86: {  	_ =	shalt  }
0x87: {  	_ =	shalt  }
.Lfunc_end0:
.L_simem_size_0:
called_computation_lowered:
.L_overlay_start_0:
0x88: {  	s2 =	sld [smem:$0x3FD9]  }
0x89: {  	s3 =	sld [smem:$0x3FFE];
	_ =	sdelay $0x1  }
0x8a: {  	s1 =	srdreg.scid  }
0x8b: {  	s0 =	sand.u32 $0x1, s1  }
0x8c: {  	s17 =	sshll.u32 s0, $0xA;
	s2 =	sadd.s32 s3, s2  }
0x8d: {  	s2 =	sadd.s32 s2, s17  }
0x8e: {  	[smem:$0x3FBC] =	sst s2  }
0x8f: {  	_ = 	snop  }
0x90: {  	s18 =	sld [smem:$0x3FC4]  }
0x91: {  	s4 =	sld [smem:$0x3FD0];
	(tm) =	ssettm $0x1  }
0x92: {  	s19 =	sld [smem:$0x3FFB];
	_ =	sdelay $0x3  }
0x93: {  	_ =	strace s19  }
0x94: {  	s2 =	sld [smem:$0x3FFC];
	_ =	sdelay $0x3  }
0x95: {  	_ =	strace s2  }
0x96: {  	s2 =	sld [smem:$0x3FFD];
	_ =	sdelay $0x3  }
0x97: {  	_ =	strace s2  }
0x98: {  	_ =	strace $0x8FFFFFFF  }
0x99: {  	s20 =	sld [smem:$0x3FDB];
	_ =	sdelay $0x1  }
0x9a: {  	s5 =	simm.s32 $_scs_section_size  }
0x9b: {  	s6 =	simm.s32 $_size__tile_overlayer_lowered;
	s7 =	simm.s32 $_tile_overlayer_lowered  }
0x9c: {  	s8 =	simm.s32 $0x1BFF;
	s21 =	sshll.u32 s7, $0x1;
	s5 =	sadd.s32 s5, s20  }
0x9d: {  	s22 =	simm.s32 $0x0;
	s6 =	sshll.u32 s6, $0x1;
	s7 =	sadd.s32 s21, s5  }
0x9e: {  	[timem:s22], [sflag:s8] =	dma.local [hbm:s7], s6  }
0x9f: {  	_ =	swait.ge [sflag:s8], s6  }
0xa0: {  	s6 =	ssub.s32 $0x0, s6;
	[sflag:s8] =	ssyncset.done $0x0  }
0xa1: {  	[sflag:s8] =	ssyncadd.s32 s6;
	_ =	sdelay $0x1  }
0xa2: {  	s23 =	simm.s32 $0x1B8B  }
0xa3: {  	_ =	swait.ge [sflag:s23], $0x1  }
0xa4: {  	[sflag:s23] =	ssyncset.done $0x0  }
0xa5: {  	[sflag:s23] =	ssyncadd.s32 $0xFFFFFFFF  }
0xa6: {  	s6 =	sld [smem:$0x0]  }
0xa7: {  	s7 =	sand.u32 $0xFFFFFFFE, s1  }
0xa8: {  	p0 =	sne.s32 s1, s7  }
0xa9: {  	s7 =	sshll.u32 @p0 s7, $0xE  }
0xaa: {  	s7 =	sadd.s32 @p0 $0x11B8D, s7;
	s8 =	sshll.u32 @p0 s6, $0x11  }
0xab: {  	s7 =	sor.u32 @p0 s8, s7  }
0xac: {  	[sflag:s7] =	ssyncadd.remote.s32 @p0 $0x1;
	_ =	sdelay $0x1  }
0xad: {  	s7 =	simm.s32 @p0 $0x1B8D  }
0xae: {  	_ =	swait.eq @p0 [sflag:s7], $0x1  }
0xaf: {  	[sflag:s7] =	ssyncadd.s32 @p0 $0xFFFFFFFF  }
0xb0: {  	s8 =	sshll.u32 @!p0 s1, $0xE  }
0xb1: {  	s8 =	sor.u32 @!p0 $0x4000, s8;
	s7 =	simm.s32 @!p0 $0x1B8D  }
0xb2: {  	s6 =	sshll.u32 @!p0 s6, $0x11;
	s8 =	sadd.s32 @!p0 $0x11B8D, s8;
	_ =	swait.eq @!p0 [sflag:s7], $0x1  }
0xb3: {  	s6 =	sor.u32 @!p0 s6, s8;
	[sflag:s7] =	ssyncadd.s32 @!p0 $0xFFFFFFFF  }
0xb4: {  	s25 =	simm.s32 $0x1B8E;
	s24 =	sld [smem:$0x3FFE];
	[sflag:s6] =	ssyncadd.remote.s32 @!p0 $0x1  }
0xb5: {  	s26 =	simm.s32 $execute0_lowered;
	[smem:$0x3FD2] =	sst s25  }
0xb6: {  	s7 =	sshll.u32 s26, $0x1;
	_ =	strace $0x80000049;
	[dreg:$0x1] =	wrdreg $0xFFFFFFFF  }
0xb7: {  	s28 =	simm.s32 $_size_execute0_lowered;
	s5 =	sadd.s32 s5, s7;
	[dreg:$0x0] =	wrdreg $0x0  }
0xb8: {  	s7 =	sshll.u32 s28, $0x1;
	[dreg:$0x2] =	wrdreg s5  }
0xb9: {  	[dreg:$0x3] =	wrdreg s7  }
0xba: {  	[dreg:$0x4] =	wrdreg $0xC0  }
0xbb: {  	_ =	task [dreg:s22], $0x5FFFF  }
0xbc: {  	[dreg:$0x1] =	wrdreg $0xFFFFFFFF  }
0xbd: {  	[dreg:$0x0] =	wrdreg $0x60  }
0xbe: {  	[dreg:$0x2] =	wrdreg s4  }
0xbf: {  	[dreg:$0x3] =	wrdreg s24  }
0xc0: {  	[dreg:$0x4] =	wrdreg s18  }
0xc1: {  	[dreg:$0x5] =	wrdreg $0x9  }
0xc2: {  	_ =	task.clear_ibuf [dreg:s22], $0x6FFFF;
	_ =	strace $0x90000049  }
0xc3: {  	s29 =	simm.s32 $0x9;
	_ =	strace $0x8000004B  }
0xc4: {  	_ =	swait.ge [sflag:s29], $0x1  }
0xc5: {  	[sflag:s29] =	ssyncadd.s32 $0xFFFFFFFF  }
0xc6: {  	_ =	strace $0x9000004B  }
0xc7: {  	_ =	sfence  }
0xc8: {  	s30 =	sld [smem:$0x0];
	_ =	sdelay $0x2  }
0xc9: {  	s31 =	sshll.u32 s1, $0xD;
	s1 =	sshrl.u32 s1, $0x2  }
0xca: {  	s4 =	sand.u32 $0x4000, s31;
	s1 =	sadd.s32 s1, s30  }
0xcb: {  	s0 =	sor.u32 s4, s0;
	s1 =	sshll.u32 s1, $0x11  }
0xcc: {  	s0 =	sor.u32 s1, s0  }
0xcd: {  	s0 =	sadd.s32 $0x8F2B, s0  }
0xce: {  	[sflag:s0] =	ssyncadd.remote.s32 $0x1  }
0xcf: {  	_ =	sfence.sel $0xFFFF  }
0xd0: {  	[dreg:$0x0] =	wrdreg $0xFFFFFFFF;
	(pc) =	sbr.abs _section_cstart, $3  }
0xd1: {  	[dreg:$0x1] =	wrdreg $0xFFFFFFFF  }
0xd2: {  	_ =	task.clear_ibuf [dreg:s22], $0x2FFFF;
	_ =	strace $0x9FFFFFFF  }
0xd3: {  	(tm) =	ssettm $0x7FFFFFFF  }
tec
execute0_lowered:
.L_overlay_start_1:
0x0: {  	(tag) =	ssettag $0x1  }
0x1: {  	s4 =	rddreg [dreg:$0x0]  }
0x2: {  	s18 =	rddreg [dreg:$0x1]  }
0x3: {  	s1 =	srdreg.scid;
	s0 =	stileid.u32  }
0x4: {  	s2 =	rddreg [dreg:$0x2];
	s19 =	sand.u32 $0x1, s1;
	s5 =	sshll.u32 s0, $0x1  }
0x5: {  	s3 =	simm.s32 $0x0;
	s1 =	rddreg [dreg:$0x3];
	s20 =	sor.u32 s19, s5  }
0x6: {  	[smem:$0x7FF] =	sst s3;
	s5 =	sshll.u32 s20, $0x6  }
0x7: {  	_ =	strace $0x8000004A;
	s5 =	sadd.s32 s4, s5;
	s4 =	simm.s32 $0x2  }
0x8: {  	[tilespmem:s3], [sflag:$0x2] =	stream.linear.gather [hbm4b:s5+s3], $0x200, $0x38;
	[tilespmem:$0x13200] =	vst v63  }
0x9: {  	s6 =	sshll.u32 s20, $0x8;
	_ =	swait.ge [sflag:s4], $0x200  }
0xa: {  	s8 =	sadd.s32 s6, s18;
	[sflag:s4] =	ssyncset.done $0x0  }
0xb: {  	s7 =	simm.s32 $0x200;
	s6 =	sadd.s32 $0x4A400, s8;
	[sflag:s4] =	ssyncadd.s32 $0xFFFFFE00  }
0xc: {  	[tilespmem:s7], [sflag:$0x2] =	stream.linear.gather [hbm4b:s6+s3], $0x800, $0x38;
	[tilespmem:$0x13200] =	vst v63  }
0xd: {  	_ =	swait.ge [sflag:s4], $0x800  }
0xe: {  	[sflag:s4] =	ssyncset.done $0x0  }
0xf: {  	s9 =	simm.s32 $0xA00;
	s8 =	sadd.s32 $0x6B600, s8;
	[sflag:s4] =	ssyncadd.s32 $0xFFFFF800  }
0x10: {  	[tilespmem:s9], [sflag:$0x2] =	stream.linear.gather [hbm4b:s8+s3], $0x800, $0x38;
	[tilespmem:$0x13200] =	vst v63  }
0x11: {  	_ =	swait.ge [sflag:s4], $0x800  }
0x12: {  	[sflag:s4] =	ssyncset.done $0x0  }
0x13: {  	s11 =	simm.s32 $0x1200;
	s10 =	sadd.s32 $0x4CC00, s18;
	[sflag:s4] =	ssyncadd.s32 $0xFFFFF800  }
0x14: {  	[tilespmem:s11], [sflag:$0x1] =	stream.indirect.gather [hbm4b:s10+s7], $0x10, s3, s7, $0xb8;
	[tilespmem:$0x13200] =	vst v63  }
0x15: {  	s13 =	simm.s32 $0x800;
	s14 =	simm.s32 $0x3200;
	s12 =	sadd.s32 $0x4C400, s18  }
0x16: {  	[tilespmem:s14], [sflag:$0x1] =	stream.indirect.gather [hbm4b:s12+s13], $0x10, s7, s13, $0xb8;
	[tilespmem:$0x13200] =	vst v63  }
0x17: {  	s15 =	simm.s32 $0xB200;
	s16 =	simm.s32 $0x1  }
0x18: {  	[tilespmem:s15], [sflag:$0x1] =	stream.indirect.gather [hbm4b:s2+s13], $0x10, s9, s13, $0xb8;
	[tilespmem:$0x13200] =	vst v63  }
0x19: {  	_ =	swait.ge [sflag:s16], $0x2000  }
0x1a: {  	[sflag:s16] =	ssyncset.done $0x0  }
0x1b: {  	[sflag:s16] =	ssyncadd.s32 $0xFFFFE000  }
0x1c: {  	_ =	swait.ge [sflag:s16], $0x8000  }
0x1d: {  	[sflag:s16] =	ssyncset.done $0x0  }
0x1e: {  	[sflag:s16] =	ssyncadd.s32 $0xFFFF8000  }
0x1f: {  	s17 =	sshll.u32 s20, $0xA;
	_ =	swait.ge [sflag:s16], $0x8000  }
0x20: {  	s17 =	sadd.s32 s17, s18;
	[sflag:s16] =	ssyncset.done $0x0  }
0x21: {  	s19 =	ssub.s32 $0x2, s19;
	s17 =	sadd.s32 $0x6D600, s17;
	[sflag:s16] =	ssyncadd.s32 $0xFFFF8000  }
0x22: {  	[hbm4b:s17+s3] =	stream.linear.scatter [tilespmem:s11], [sflag:$0x2], $0x2000, $0x38;
	[tilespmem:$0x13200] =	vst v63  }
0x23: {  	s20 =	sshll.u32 s20, $0xC;
	s21 =	sshrl.u32 s19, $0x1;
	_ =	swait.ge [sflag:s4], $0x2000  }
0x24: {  	s20 =	sadd.s32 s20, s18;
	s21 =	ssub.s32 s19, s21;
	[sflag:s4] =	ssyncset.done $0x0  }
0x25: {  	s18 =	sadd.s32 $0x75600, s20;
	s31 =	smax.u32 s21, $0x1;
	[sflag:s4] =	ssyncadd.s32 $0xFFFFE000  }
0x26: {  	[hbm4b:s18+s3] =	stream.linear.scatter [tilespmem:s14], [sflag:$0x2], $0x8000, $0x38;
	[tilespmem:$0x13200] =	vst v63  }
0x27: {  	p0 =	sne.s32 s31, $0x1;
	_ =	swait.ge [sflag:s4], $0x8000  }
.Ltmp0:
0x28: {  	[sflag:s4] =	ssyncset.done $0x0;
	(pc) =	sbr.rel @!p0 .LBB2_2-.Ltmp0, $4  }
0x29: {  	s19 =	sadd.s32 $0x95600, s20;
	[sflag:s4] =	ssyncadd.s32 $0xFFFF8000  }
0x2a: {  	[hbm4b:s19+s3] =	stream.linear.scatter [tilespmem:s15], [sflag:$0x2], $0x8000, $0x38;
	[tilespmem:$0x13200] =	vst v63  }
0x2b: {  	_ =	swait.ge [sflag:s4], $0x8000  }
0x2c: {  	s20 =	sadd.s32 $0xFFFFFFFF, s31;
	[sflag:s4] =	ssyncset.done $0x0  }
.LBB2_1:
0x2d: {  	p0 =	sne.s32 s20, $0x1;
	s20 =	sadd.s32 $0xFFFFFFFF, s20;
	[sflag:s4] =	ssyncadd.s32 $0xFFFF8000  }
0x2e: {  	[tilespmem:s3], [sflag:$0x2] =	stream.linear.gather [hbm4b:s5+s3], $0x200, $0x38;
	[tilespmem:$0x13200] =	vst v63  }
0x2f: {  	_ =	swait.ge [sflag:s4], $0x200  }
0x30: {  	[sflag:s4] =	ssyncset.done $0x0  }
0x31: {  	[sflag:s4] =	ssyncadd.s32 $0xFFFFFE00  }
0x32: {  	[tilespmem:s7], [sflag:$0x2] =	stream.linear.gather [hbm4b:s6+s3], $0x800, $0x38;
	[tilespmem:$0x13200] =	vst v63  }
0x33: {  	_ =	swait.ge [sflag:s4], $0x800  }
0x34: {  	[sflag:s4] =	ssyncset.done $0x0  }
0x35: {  	[sflag:s4] =	ssyncadd.s32 $0xFFFFF800  }
0x36: {  	[tilespmem:s9], [sflag:$0x2] =	stream.linear.gather [hbm4b:s8+s3], $0x800, $0x38;
	[tilespmem:$0x13200] =	vst v63  }
0x37: {  	_ =	swait.ge [sflag:s4], $0x800  }
0x38: {  	[sflag:s4] =	ssyncset.done $0x0  }
0x39: {  	[sflag:s4] =	ssyncadd.s32 $0xFFFFF800  }
0x3a: {  	[tilespmem:s11], [sflag:$0x1] =	stream.indirect.gather [hbm4b:s10+s7], $0x10, s3, s7, $0xb8;
	[tilespmem:$0x13200] =	vst v63  }
0x3b: {  	_ = 	snop  }
0x3c: {  	[tilespmem:s14], [sflag:$0x1] =	stream.indirect.gather [hbm4b:s12+s13], $0x10, s7, s13, $0xb8;
	[tilespmem:$0x13200] =	vst v63  }
0x3d: {  	_ = 	snop  }
0x3e: {  	[tilespmem:s15], [sflag:$0x1] =	stream.indirect.gather [hbm4b:s2+s13], $0x10, s9, s13, $0xb8;
	[tilespmem:$0x13200] =	vst v63  }
0x3f: {  	_ =	swait.ge [sflag:s16], $0x2000  }
0x40: {  	[sflag:s16] =	ssyncset.done $0x0  }
0x41: {  	[sflag:s16] =	ssyncadd.s32 $0xFFFFE000  }
0x42: {  	_ =	swait.ge [sflag:s16], $0x8000  }
0x43: {  	[sflag:s16] =	ssyncset.done $0x0  }
0x44: {  	[sflag:s16] =	ssyncadd.s32 $0xFFFF8000  }
0x45: {  	_ =	swait.ge [sflag:s16], $0x8000  }
0x46: {  	[sflag:s16] =	ssyncset.done $0x0  }
0x47: {  	[sflag:s16] =	ssyncadd.s32 $0xFFFF8000  }
0x48: {  	[hbm4b:s17+s3] =	stream.linear.scatter [tilespmem:s11], [sflag:$0x2], $0x2000, $0x38;
	[tilespmem:$0x13200] =	vst v63  }
0x49: {  	_ =	swait.ge [sflag:s4], $0x2000  }
0x4a: {  	[sflag:s4] =	ssyncset.done $0x0  }
0x4b: {  	[sflag:s4] =	ssyncadd.s32 $0xFFFFE000  }
0x4c: {  	[hbm4b:s18+s3] =	stream.linear.scatter [tilespmem:s14], [sflag:$0x2], $0x8000, $0x38;
	[tilespmem:$0x13200] =	vst v63  }
0x4d: {  	_ =	swait.ge [sflag:s4], $0x8000  }
.Ltmp1:
0x4e: {  	[sflag:s4] =	ssyncset.done $0x0;
	(pc) =	sbr.rel @p0 .LBB2_1-.Ltmp1, $4  }
0x4f: {  	[sflag:s4] =	ssyncadd.s32 $0xFFFF8000  }
0x50: {  	[hbm4b:s19+s3] =	stream.linear.scatter [tilespmem:s15], [sflag:$0x2], $0x8000, $0x38;
	[tilespmem:$0x13200] =	vst v63  }
0x51: {  	_ =	swait.ge [sflag:s4], $0x8000  }
0x52: {  	[sflag:s4] =	ssyncset.done $0x0  }
.LBB2_2:
0x53: {  	[sflag:s4] =	ssyncadd.s32 $0xFFFF8000  }
0x54: {  	_ =	sfence.sel $0x180000  }
0x55: {  	[bflag:$0x0] =	sbarrier.arrive $0xFFFF  }
0x56: {  	p0 =	sne.s32 s0, $0x0;
	_ =	strace $0x9000004A  }
0x57: {  	s0 =	sadd.s32 @!p0 $0x100000, s1;
	[bflag:$0x2] =	sbarrier.arrive $0xFFFF  }
0x58: {  	[sflag:s0] =	ssyncadd.tile.s32 @!p0 $0x1;
	_ =	shalt  }
.Lfunc_end2:
_tile_overlayer_lowered:
.L_overlay_start_2:
0x59: {  	(tag) =	ssettag $0x2  }
0x5a: {  	s0 =	rddreg [dreg:$0x0];
	s2 =	stileid.u32  }
0x5b: {  	s1 =	rddreg [dreg:$0x1];
	p0 =	sne.s32 s2, $0x0  }
0x5c: {  	s3 =	rddreg [dreg:$0x2];
	[bflag:$0x3] =	sbarrier.arrive $0xFFFF;
	s2 =	simm.s32 @!p0 $0x1C02  }
0x5d: {  	[timem:s3], [sflag:s2] =	dma.local @!p0 [hbm:s0], s1  }
0x5e: {  	s0 =	simm.s32 @!p0 $0x2  }
0x5f: {  	_ =	swait.ge @!p0 [sflag:s0], s1  }
0x60: {  	s1 =	ssub.s32 @!p0 $0x0, s1;
	[sflag:s0] =	ssyncset.done @!p0 $0x0  }
0x61: {  	[sflag:s0] =	ssyncadd.s32 @!p0 s1  }
0x62: {  	[bflag:$0x3] =	sbarrier.arrive $0xFFFF  }
0x63: {  	_ =	shalt  }

// kernel: kernel.8.cloned.1.call-start
scs
__scs_entry_jumppad:
0x0: {  	(pc) =	sbr.rel $0x88, $3  }
0x1: {  	(tag) =	ssettag $0x0;
	lr =	simm.s32 $0x1  }
0x2: {  	[smem:$0x3F95] =	sst lr;
	_ =	strace $0xD0000000  }
0x3: {  	_ = 	snop  }
0x4: {  	_ = 	snop  }
0x5: {  	_ = 	snop  }
0x6: {  	_ = 	snop  }
0x7: {  	_ = 	snop  }
__scs_overlays_trampoline_lowered:
0x8: {  	[smem:$0x3FA4] =	sst s0  }
0x9: {  	[smem:$0x3FA5] =	sst s1  }
0xa: {  	[smem:$0x3FA6] =	sst s2  }
0xb: {  	[smem:$0x3FA7] =	sst s3  }
0xc: {  	[smem:$0x3FA8] =	sst s4  }
0xd: {  	[smem:$0x3FA9] =	sst s5  }
0xe: {  	[smem:$0x3FAA] =	sst s6  }
0xf: {  	[smem:$0x3FAB] =	sst s7  }
0x10: {  	[smem:$0x3FAC] =	sst s8  }
0x11: {  	[smem:$0x3FAD] =	sst s9;
	s0 =	simm.s32 @!p0 $0x0  }
0x12: {  	s1 =	sld [smem:$0x3F93];
	s0 =	simm.s32 @p0 $0x1  }
0x13: {  	[smem:$0x3FAE] =	sst s0;
	s0 =	simm.s32 @!p1 $0x0  }
0x14: {  	s2 =	sld [smem:$0x3F92];
	s0 =	simm.s32 @p1 $0x1  }
0x15: {  	[smem:$0x3FAF] =	sst s0;
	s0 =	simm.s32 @!p2 $0x0  }
0x16: {  	s3 =	sld [smem:$0x3FDB];
	s0 =	simm.s32 @p2 $0x1  }
0x17: {  	s4 =	simm.s32 $0x1BF5;
	[smem:$0x3FB1] =	sst s0  }
0x18: {  	s0 =	sld [smem:$0x3F94];
	_ =	swait.ge [sflag:s4], $0x0  }
0x19: {  	s7 =	sld [smem:$0x3F95]  }
0x1a: {  	s8 =	sadd.s32 $0xFFFFE003, lr  }
0x1b: {  	s9 =	sadd.s32 $0xFFFFFEF7, lr;
	s5 =	simm.s32 $0xFFFFFFFF;
	p2 =	slt.u32 s8, $0xFFFFF086  }
0x1c: {  	p1 =	slt.u32 s9, $0xF7A;
	s5 =	simm.s32 @!p2 $0x0  }
0x1d: {  	s5 =	simm.s32 @p1 $0x1;
	p0 =	seq.s32 s7, s2  }
0x1e: {  	s7 =	smul.u32 @!p0 $0xF7A, s2;
	p2 =	seq.s32 @!p0 s5, $0x0  }
0x1f: {  	s9 =	smul.u32 $0xF7A, s1;
	s8 =	simm.s32 @!p0 $0x1BF5;
	p2 =	por !p2, p0  }
0x20: {  	[sflag:s8] =	ssyncset.s32 @!p0 $0xFFFFF086;
	s6 =	sadd.s32 @!p0 s3, s7;
	s7 =	simm.s32 @!p0 $0x108  }
0x21: {  	s3 =	sadd.s32 s3, s9;
	s6 =	sadd.s32 @!p0 $0x88, s6;
	s7 =	simm.s32 @p2 $0x1082  }
0x22: {  	[simem:s7], [sflag:s8] =	dma.local @!p0 [hbm:s6], $0xF7A  }
0x23: {  	s9 =	sor.u32 $0xD0000000, s2;
	s6 =	simm.s32 $0x108;
	_ =	swait.ge @!p0 [sflag:s8], $0x0  }
0x24: {  	s3 =	sadd.s32 $0x88, s3;
	s6 =	simm.s32 @!p1 $0x1082;
	[sflag:s4] =	ssyncset.s32 $0xFFFFF086  }
0x25: {  	[simem:s6], [sflag:s4] =	dma.local [hbm:s3], $0xF7A  }
0x26: {  	[smem:$0x3F95] =	sst s1;
	(tag) =	ssettag s2;
	_ =	strace s9  }
0x27: {  	s1 =	sld [smem:$0x3FA5]  }
0x28: {  	s2 =	sld [smem:$0x3FA6]  }
0x29: {  	s4 =	sld [smem:$0x3FA8]  }
0x2a: {  	p0 =	seq.s32 s5, $0x0;
	s5 =	sld [smem:$0x3FA9]  }
0x2b: {  	s6 =	sld [smem:$0x3FAA]  }
0x2c: {  	s7 =	sld [smem:$0x3FAB]  }
0x2d: {  	s3 =	simm.s32 $0x108;
	s8 =	sld [smem:$0x3FAC]  }
0x2e: {  	s3 =	simm.s32 @!p0 $0x1082;
	s9 =	sld [smem:$0x3FAD]  }
0x2f: {  	lr =	sadd.s32 s0, s3;
	s0 =	sld [smem:$0x3FA4]  }
0x30: {  	s3 =	sld [smem:$0x3FA7]  }
0x31: {  	[smem:$0x3FB0] =	sst s10  }
0x32: {  	s10 =	sld [smem:$0x3FAE];
	_ =	sdelay $0x3  }
0x33: {  	p0 =	seq.s32 s10, $0x1;
	s10 =	sld [smem:$0x3FB0];
	_ =	sdelay $0x3  }
0x34: {  	[smem:$0x3FB0] =	sst s10  }
0x35: {  	s10 =	sld [smem:$0x3FAF];
	_ =	sdelay $0x3  }
0x36: {  	p1 =	seq.s32 s10, $0x1;
	s10 =	sld [smem:$0x3FB0];
	_ =	sdelay $0x3  }
0x37: {  	[smem:$0x3FB0] =	sst s10  }
0x38: {  	s10 =	sld [smem:$0x3FB1]  }
0x39: {  	_ = 	snop;
	(pc) =	sbr.ind lr, $3  }
0x3a: {  	_ = 	snop  }
0x3b: {  	_ = 	snop  }
0x3c: {  	p2 =	seq.s32 s10, $0x1;
	s10 =	sld [smem:$0x3FB0]  }
0x3d: {  	_ =	shalt  }
0x3e: {  	_ =	shalt  }
0x3f: {  	_ =	shalt  }
0x40: {  	_ =	shalt  }
0x41: {  	_ =	shalt  }
0x42: {  	_ =	shalt  }
0x43: {  	_ =	shalt  }
0x44: {  	_ =	shalt  }
0x45: {  	_ =	shalt  }
0x46: {  	_ =	shalt  }
0x47: {  	_ =	shalt  }
0x48: {  	_ =	shalt  }
0x49: {  	_ =	shalt  }
0x4a: {  	_ =	shalt  }
0x4b: {  	_ =	shalt  }
0x4c: {  	_ =	shalt  }
0x4d: {  	_ =	shalt  }
0x4e: {  	_ =	shalt  }
0x4f: {  	_ =	shalt  }
0x50: {  	_ =	shalt  }
0x51: {  	_ =	shalt  }
0x52: {  	_ =	shalt  }
0x53: {  	_ =	shalt  }
0x54: {  	_ =	shalt  }
0x55: {  	_ =	shalt  }
0x56: {  	_ =	shalt  }
0x57: {  	_ =	shalt  }
0x58: {  	_ =	shalt  }
0x59: {  	_ =	shalt  }
0x5a: {  	_ =	shalt  }
0x5b: {  	_ =	shalt  }
0x5c: {  	_ =	shalt  }
0x5d: {  	_ =	shalt  }
0x5e: {  	_ =	shalt  }
0x5f: {  	_ =	shalt  }
0x60: {  	_ =	shalt  }
0x61: {  	_ =	shalt  }
0x62: {  	_ =	shalt  }
0x63: {  	_ =	shalt  }
0x64: {  	_ =	shalt  }
0x65: {  	_ =	shalt  }
0x66: {  	_ =	shalt  }
0x67: {  	_ =	shalt  }
0x68: {  	_ =	shalt  }
0x69: {  	_ =	shalt  }
0x6a: {  	_ =	shalt  }
0x6b: {  	_ =	shalt  }
0x6c: {  	_ =	shalt  }
0x6d: {  	_ =	shalt  }
0x6e: {  	_ =	shalt  }
0x6f: {  	_ =	shalt  }
0x70: {  	_ =	shalt  }
0x71: {  	_ =	shalt  }
0x72: {  	_ =	shalt  }
0x73: {  	_ =	shalt  }
0x74: {  	_ =	shalt  }
0x75: {  	_ =	shalt  }
0x76: {  	_ =	shalt  }
0x77: {  	_ =	shalt  }
0x78: {  	_ =	shalt  }
0x79: {  	_ =	shalt  }
0x7a: {  	_ =	shalt  }
0x7b: {  	_ =	shalt  }
0x7c: {  	_ =	shalt  }
0x7d: {  	_ =	shalt  }
0x7e: {  	_ =	shalt  }
0x7f: {  	_ =	shalt  }
0x80: {  	_ =	shalt  }
0x81: {  	_ =	shalt  }
0x82: {  	_ =	shalt  }
0x83: {  	_ =	shalt  }
0x84: {  	_ =	shalt  }
0x85: {  	_ =	shalt  }
0x86: {  	_ =	shalt  }
0x87: {  	_ =	shalt  }
.Lfunc_end0:
.L_simem_size_0:
called_computation.1_lowered:
.L_overlay_start_0:
0x88: {  	s2 =	sld [smem:$0x3FD9]  }
0x89: {  	s3 =	sld [smem:$0x3FFE];
	_ =	sdelay $0x1  }
0x8a: {  	s1 =	srdreg.scid  }
0x8b: {  	s0 =	sand.u32 $0x1, s1  }
0x8c: {  	s17 =	sshll.u32 s0, $0xA;
	s2 =	sadd.s32 s3, s2  }
0x8d: {  	s2 =	sadd.s32 s2, s17  }
0x8e: {  	[smem:$0x3FBC] =	sst s2  }
0x8f: {  	_ = 	snop  }
0x90: {  	s2 =	sld [smem:$0x3FC9];
	(tm) =	ssettm $0x1  }
0x91: {  	s18 =	sld [smem:$0x3FFB];
	_ =	sdelay $0x3  }
0x92: {  	_ =	strace s18  }
0x93: {  	s3 =	sld [smem:$0x3FFC];
	_ =	sdelay $0x3  }
0x94: {  	_ =	strace s3  }
0x95: {  	s3 =	sld [smem:$0x3FFD];
	_ =	sdelay $0x3  }
0x96: {  	_ =	strace s3  }
0x97: {  	_ =	strace $0x8FFFFFFF  }
0x98: {  	s19 =	sld [smem:$0x3FDB];
	_ =	sdelay $0x1  }
0x99: {  	s4 =	simm.s32 $_scs_section_size  }
0x9a: {  	s5 =	simm.s32 $_size__tile_overlayer_lowered;
	s6 =	simm.s32 $_tile_overlayer_lowered  }
0x9b: {  	s22 =	simm.s32 $0x1BFF;
	s21 =	sshll.u32 s6, $0x1;
	s3 =	sadd.s32 s4, s19  }
0x9c: {  	s7 =	simm.s32 $0x0;
	s20 =	sshll.u32 s5, $0x1;
	s5 =	sadd.s32 s21, s3  }
0x9d: {  	[timem:s7], [sflag:s22] =	dma.local [hbm:s5], s20  }
0x9e: {  	_ =	swait.ge [sflag:s22], s20  }
0x9f: {  	s4 =	ssub.s32 $0x0, s20;
	[sflag:s22] =	ssyncset.done $0x0  }
0xa0: {  	[sflag:s22] =	ssyncadd.s32 s4;
	_ =	sdelay $0x1  }
0xa1: {  	s23 =	simm.s32 $0x1B8B  }
0xa2: {  	_ =	swait.ge [sflag:s23], $0x1  }
0xa3: {  	[sflag:s23] =	ssyncset.done $0x0  }
0xa4: {  	s25 =	simm.s32 $0x1B8E;
	s24 =	sld [smem:$0x3FFE];
	[sflag:s23] =	ssyncadd.s32 $0xFFFFFFFF  }
0xa5: {  	s26 =	simm.s32 $execute0_lowered;
	[smem:$0x3FD2] =	sst s25  }
0xa6: {  	s5 =	sshll.u32 s26, $0x1;
	_ =	strace $0x80000046;
	[dreg:$0x1] =	wrdreg $0xFFFFFFFF  }
0xa7: {  	s28 =	simm.s32 $_size_execute0_lowered;
	s3 =	sadd.s32 s3, s5;
	[dreg:$0x0] =	wrdreg $0x0  }
0xa8: {  	s5 =	sshll.u32 s28, $0x1;
	[dreg:$0x2] =	wrdreg s3  }
0xa9: {  	[dreg:$0x3] =	wrdreg s5  }
0xaa: {  	[dreg:$0x4] =	wrdreg $0xC0  }
0xab: {  	_ =	task [dreg:s7], $0x5FFFF  }
0xac: {  	[dreg:$0x1] =	wrdreg $0xFFFFFFFF  }
0xad: {  	[dreg:$0x0] =	wrdreg $0x60  }
0xae: {  	[dreg:$0x2] =	wrdreg s2  }
0xaf: {  	[dreg:$0x3] =	wrdreg s24  }
0xb0: {  	[dreg:$0x4] =	wrdreg $0xA  }
0xb1: {  	_ =	task.clear_ibuf [dreg:s7], $0x5FFFF;
	_ =	strace $0x90000046  }
0xb2: {  	s29 =	simm.s32 $0xA;
	_ =	strace $0x80000048  }
0xb3: {  	_ =	swait.ge [sflag:s29], $0x1  }
0xb4: {  	[sflag:s29] =	ssyncadd.s32 $0xFFFFFFFF  }
0xb5: {  	_ =	strace $0x90000048  }
0xb6: {  	_ =	sfence  }
0xb7: {  	s30 =	sld [smem:$0x0];
	_ =	sdelay $0x2  }
0xb8: {  	s31 =	sshll.u32 s1, $0xD;
	s1 =	sshrl.u32 s1, $0x2  }
0xb9: {  	s3 =	sand.u32 $0x4000, s31;
	s1 =	sadd.s32 s1, s30  }
0xba: {  	s0 =	sor.u32 s3, s0;
	s1 =	sshll.u32 s1, $0x11  }
0xbb: {  	s0 =	sor.u32 s1, s0  }
0xbc: {  	s0 =	sadd.s32 $0x8F2B, s0  }
0xbd: {  	[sflag:s0] =	ssyncadd.remote.s32 $0x1  }
0xbe: {  	_ =	sfence.sel $0xFFFF  }
0xbf: {  	[dreg:$0x0] =	wrdreg $0xFFFFFFFF;
	(pc) =	sbr.abs _section_cstart, $3  }
0xc0: {  	[dreg:$0x1] =	wrdreg $0xFFFFFFFF  }
0xc1: {  	_ =	task.clear_ibuf [dreg:s7], $0x2FFFF;
	_ =	strace $0x9FFFFFFF  }
0xc2: {  	(tm) =	ssettm $0x7FFFFFFF  }
0xc3: {  	_ =	shalt  }
tec
execute0_lowered:
.L_overlay_start_1:
0x0: {  	(tag) =	ssettag $0x1  }
0x1: {  	s1 =	srdreg.scid  }
0x2: {  	s3 =	rddreg [dreg:$0x0];
	s0 =	stileid.u32  }
0x3: {  	s8 =	rddreg [dreg:$0x1];
	s2 =	simm.s32 $0x0;
	s6 =	sand.u32 $0x1, s1  }
0x4: {  	s4 =	sshll.u32 s0, $0xA;
	s1 =	rddreg [dreg:$0x2];
	s5 =	sshll.u32 s6, $0x9  }
0x5: {  	s7 =	simm.s32 $0x1;
	[smem:$0x7FF] =	sst s2;
	s9 =	sor.u32 s5, s4  }
0x6: {  	_ =	strace $0x80000047;
	s10 =	ssub.s32 $0x2, s6;
	s4 =	sshrl.u32 s9, $0x3  }
0x7: {  	s6 =	simm.s32 $0x200;
	s4 =	sadd.s32 s3, s4;
	s3 =	simm.s32 $0x2  }
0x8: {  	[tilespmem:s2], [sflag:$0x2] =	stream.linear.gather [hbm4b:s4+s2], $0x200, $0x38;
	[tilespmem:$0x2200] =	vst v63  }
0x9: {  	s5 =	sadd.s32 $0xF44800, s8;
	s11 =	sshrl.u32 s10, $0x1;
	_ =	swait.ge [sflag:s3], $0x200  }
0xa: {  	s9 =	sshll.u32 s9, $0x1;
	s31 =	ssub.s32 s10, s11;
	[sflag:s3] =	ssyncset.done $0x0  }
0xb: {  	s8 =	sadd.s32 s9, s8;
	s9 =	smax.u32 s31, $0x1;
	[sflag:s3] =	ssyncadd.s32 $0xFFFFFE00  }
0xc: {  	[tilespmem:s6], [sflag:$0x1] =	stream.indirect.gather [hbm4b:s5+s6], $0x10, s2, s6, $0xb8;
	[tilespmem:$0x2200] =	vst v63  }
0xd: {  	p0 =	sne.s32 s9, $0x1;
	_ =	swait.ge [sflag:s7], $0x2000  }
.Ltmp0:
0xe: {  	[sflag:s7] =	ssyncset.done $0x0;
	(pc) =	sbr.rel @!p0 .LBB2_2-.Ltmp0, $4  }
0xf: {  	s8 =	sadd.s32 $0x2400, s8;
	[sflag:s7] =	ssyncadd.s32 $0xFFFFE000  }
0x10: {  	[hbm4b:s8+s2] =	stream.linear.scatter [tilespmem:s6], [sflag:$0x2], $0x2000, $0x38;
	[tilespmem:$0x2200] =	vst v63  }
0x11: {  	_ =	swait.ge [sflag:s3], $0x2000  }
0x12: {  	s9 =	sadd.s32 $0xFFFFFFFF, s9;
	[sflag:s3] =	ssyncset.done $0x0  }
.LBB2_1:
0x13: {  	p0 =	sne.s32 s9, $0x1;
	s9 =	sadd.s32 $0xFFFFFFFF, s9;
	[sflag:s3] =	ssyncadd.s32 $0xFFFFE000  }
0x14: {  	[tilespmem:s2], [sflag:$0x2] =	stream.linear.gather [hbm4b:s4+s2], $0x200, $0x38;
	[tilespmem:$0x2200] =	vst v63  }
0x15: {  	_ =	swait.ge [sflag:s3], $0x200  }
0x16: {  	[sflag:s3] =	ssyncset.done $0x0  }
0x17: {  	[sflag:s3] =	ssyncadd.s32 $0xFFFFFE00  }
0x18: {  	[tilespmem:s6], [sflag:$0x1] =	stream.indirect.gather [hbm4b:s5+s6], $0x10, s2, s6, $0xb8;
	[tilespmem:$0x2200] =	vst v63  }
0x19: {  	_ =	swait.ge [sflag:s7], $0x2000  }
.Ltmp1:
0x1a: {  	[sflag:s7] =	ssyncset.done $0x0;
	(pc) =	sbr.rel @p0 .LBB2_1-.Ltmp1, $4  }
0x1b: {  	[sflag:s7] =	ssyncadd.s32 $0xFFFFE000  }
0x1c: {  	[hbm4b:s8+s2] =	stream.linear.scatter [tilespmem:s6], [sflag:$0x2], $0x2000, $0x38;
	[tilespmem:$0x2200] =	vst v63  }
0x1d: {  	_ =	swait.ge [sflag:s3], $0x2000  }
0x1e: {  	[sflag:s3] =	ssyncset.done $0x0  }
.LBB2_2:
0x1f: {  	[sflag:s3] =	ssyncadd.s32 $0xFFFFE000  }
0x20: {  	_ =	sfence.sel $0x180000  }
0x21: {  	[bflag:$0x0] =	sbarrier.arrive $0xFFFF  }
0x22: {  	p0 =	sne.s32 s0, $0x0;
	_ =	strace $0x90000047  }
0x23: {  	s0 =	sadd.s32 @!p0 $0x100000, s1;
	[bflag:$0x2] =	sbarrier.arrive $0xFFFF  }
0x24: {  	[sflag:s0] =	ssyncadd.tile.s32 @!p0 $0x1;
	_ =	shalt  }
.Lfunc_end2:
_tile_overlayer_lowered:
.L_overlay_start_2:
0x25: {  	(tag) =	ssettag $0x2  }
0x26: {  	s0 =	rddreg [dreg:$0x0];
	s2 =	stileid.u32  }
0x27: {  	s1 =	rddreg [dreg:$0x1];
	p0 =	sne.s32 s2, $0x0  }
0x28: {  	s3 =	rddreg [dreg:$0x2];
	[bflag:$0x3] =	sbarrier.arrive $0xFFFF;
	s2 =	simm.s32 @!p0 $0x1C02  }
0x29: {  	[timem:s3], [sflag:s2] =	dma.local @!p0 [hbm:s0], s1  }
0x2a: {  	s0 =	simm.s32 @!p0 $0x2  }
0x2b: {  	_ =	swait.ge @!p0 [sflag:s0], s1  }
0x2c: {  	s1 =	ssub.s32 @!p0 $0x0, s1;
	[sflag:s0] =	ssyncset.done @!p0 $0x0  }
0x2d: {  	[sflag:s0] =	ssyncadd.s32 @!p0 s1  }
0x2e: {  	[bflag:$0x3] =	sbarrier.arrive $0xFFFF  }
0x2f: {  	_ =	shalt  }

</sc_bundles>
